<compile_context>
chip_gen: v7x
topology: tpu7x:2x2x1
jax: 0.10.2.dev20260603
libtpu: 0.0.44.dev20260713+nightly
codegen_flags: <defaults>
</compile_context>

<pallas_src>
import functools

import jax
import jax.numpy as jnp
from jax import lax
from jax.experimental import pallas as pl
from jax.experimental.pallas import tpu as pltpu
from jax.experimental.pallas import tpu_sc as plsc

NUM_FIELDS = 26
DIM = 32
BATCH = 16384
VOCAB = 100000
NROWS = NUM_FIELDS * VOCAB
NROWS_PAD = 2600064
NTILE = NROWS_PAD // 128
NBAND = DIM // 8
SLICE_T = 783
TCS_CAP = NTILE - SLICE_T
NC, NS = 2, 16
NW = NC * NS
NPAIR = NUM_FIELDS * DIM
PAIRS_PER_W = NPAIR // NW


def _sc_gather(x_flat, tab4):
    mesh = plsc.VectorSubcoreMesh(core_axis_name="c", subcore_axis_name="s")

    @functools.partial(
        pl.kernel,
        mesh=mesh,
        out_type=jax.ShapeDtypeStruct(
            (NUM_FIELDS, NBAND, BATCH // 128, 8, 128), jnp.float32),
        compiler_params=pltpu.CompilerParams(
            use_tc_tiling_on_sc=False, needs_layout_passes=False),
        scratch_types=[
            pltpu.VMEM((SLICE_T, 1, 128), jnp.float32),
            pltpu.VMEM((BATCH,), jnp.int32),
            pltpu.VMEM((2, BATCH // 512, 1, 128), jnp.float32),
            pltpu.SemaphoreType.DMA,
            pltpu.SemaphoreType.DMA,
            pltpu.SemaphoreType.DMA,
        ],
    )
    def k(x_hbm, tab_hbm, out_hbm, slice_v, xb_v, ob_v,
          sem_s, sem_x, sem_o):
        wid = lax.axis_index("s") * NC + lax.axis_index("c")
        zero16 = jnp.zeros((16,), jnp.int32)

        def pair_params(kk):
            p = wid * PAIRS_PER_W + kk
            f = p // DIM
            d = lax.rem(p, DIM)
            dd = d // 8
            r = lax.rem(d, 8)
            base_f = f * VOCAB
            tcs = jnp.minimum(base_f // 128, TCS_CAP)
            delta = base_f - tcs * 128
            return p, f, dd, r, tcs, delta

        def issue_slice(kk):
            _, _, dd, r, tcs, _ = pair_params(kk)
            return pltpu.async_copy(
                tab_hbm.at[dd, pl.ds(tcs, SLICE_T), pl.ds(r, 1), :],
                slice_v, sem_s)

        def issue_x(f):
            return pltpu.async_copy(
                x_hbm.at[pl.ds(f * BATCH, BATCH)], xb_v, sem_x)

        def drain_slice():
            pltpu.make_async_copy(
                tab_hbm.at[0, pl.ds(0, SLICE_T), pl.ds(0, 1), :],
                slice_v, sem_s).wait()

        def drain_x():
            pltpu.make_async_copy(
                x_hbm.at[pl.ds(0, BATCH)], xb_v, sem_x).wait()

        QT = BATCH // 512

        def drain_out(h):
            pltpu.make_async_copy(
                ob_v.at[h], out_hbm.at[0, 0, pl.ds(0, QT),
                                       pl.ds(0, 1), :], sem_o).wait()

        issue_slice(0)
        issue_x(pair_params(0)[1])
        drain_x()

        def pair_body(kk, carry):
            _, f, dd, r, _, delta = pair_params(kk)
            drain_slice()
            for qq in range(4):
                h = qq % 2

                @pl.when((kk > 0) | (qq >= 2))
                def _(h=h):
                    drain_out(h)

                def blk(j, carry3, qq=qq, h=h, delta=delta):
                    for u in range(8):
                        s = qq * (BATCH // 4) + j * 128 + u * 16
                        iv = xb_v[pl.ds(s, 16)] + delta
                        g = plsc.load_gather(
                            slice_v, [iv >> 7, zero16, iv & 127])
                        ob_v[h, j, 0, pl.ds(u * 16, 16)] = g
                    return carry3

                lax.fori_loop(0, QT, blk, 0)
                pltpu.async_copy(
                    ob_v.at[h],
                    out_hbm.at[f, dd, pl.ds(qq * QT, QT),
                               pl.ds(r, 1), :], sem_o)

            @pl.when(kk + 1 < PAIRS_PER_W)
            def _():
                nf = pair_params(kk + 1)[1]

                @pl.when(nf != f)
                def _():
                    issue_x(nf)
                    drain_x()
                issue_slice(kk + 1)
            return carry

        lax.fori_loop(0, PAIRS_PER_W, pair_body, 0)
        drain_out(0)
        drain_out(1)

    return k(x_flat, tab4)


def kernel(x, cat_emb_weight, categories_offset):
    del categories_offset
    tab_pad = jnp.pad(cat_emb_weight, ((0, NROWS_PAD - NROWS), (0, 0)))
    tab4 = tab_pad.T.reshape(NBAND, 8, NTILE, 128).transpose(0, 2, 1, 3)
    x_flat = x.T.reshape(NUM_FIELDS * BATCH)
    out5 = _sc_gather(x_flat, tab4)
    return out5.transpose(2, 4, 0, 1, 3).reshape(BATCH, NUM_FIELDS, DIM)

# --- scband reference (transcript-rebuilt; emitter-appended) ---
"""Pipeline reference for scband-cat-embedding-55972013802278 (READ-ONLY COPY).

The authoritative reference and input builder live on the scoring server;
editing this copy changes nothing except your own understanding.
"""

import jax, jax.numpy as jnp
import numpy as np

NUM_FIELDS = 26
PER_FIELD_VOCAB = 100000
CATEGORIES = [PER_FIELD_VOCAB] * NUM_FIELDS
DIM = 32
BATCH = 16384


def setup_inputs(seed: int = 0) -> dict:
    key = jax.random.key(seed)
    k1, k2 = jax.random.split(key)
    # categorical indices, per-field values in [0, PER_FIELD_VOCAB)
    x = jax.random.randint(k1, (BATCH, NUM_FIELDS), 0, PER_FIELD_VOCAB, dtype=jnp.int32)
    # per-field offsets into the concatenated table (buffer, derived from categories)
    offsets_np = np.concatenate([[0], np.cumsum(CATEGORIES)[:-1]]).astype(np.int32)
    categories_offset = jnp.asarray(offsets_np)
    # learned embedding table, init N(0, sigma=0.001)
    total_rows = int(sum(CATEGORIES))
    cat_emb_weight = jax.random.normal(k2, (total_rows, DIM), dtype=jnp.float32) * 0.001
    return {"x": x, "cat_emb_weight": cat_emb_weight, "categories_offset": categories_offset}


def reference(x, cat_emb_weight, categories_offset):
    # x: int[B, F]; offset each field into the concatenated vocab, then gather
    idx = x + categories_offset[None, :]
    out = jnp.take(cat_emb_weight, idx, axis=0)  # [B, F, DIM]
    return out

if __name__ == "__main__":
    import jax
    _d = setup_inputs()
    print(jax.jit(kernel)(*tuple(_d.values())))

</pallas_src>

<mosaic_0001>
#map = affine_map<(d0, d1) -> (0)>
#map1 = affine_map<(d0, d1) -> (0, 0, 0, 0)>
#map2 = affine_map<(d0, d1) -> (0, 0, 0, 0, 0)>
module attributes {stable_mosaic.version = 14 : i64} {
  func.func @k(%arg0: i32, %arg1: i32, %arg2: memref<425984xi32, #tpu.memory_space<hbm>>, %arg3: memref<4x20313x8x128xf32, #tpu.memory_space<hbm>>, %arg4: memref<26x4x128x8x128xf32, #tpu.memory_space<hbm>>, %arg5: memref<783x1x128xf32, #tpu.memory_space<vmem>>, %arg6: memref<16384xi32, #tpu.memory_space<vmem>>, %arg7: memref<2x32x1x128xf32, #tpu.memory_space<vmem>>, %arg8: memref<!tpu.dma_semaphore, #tpu.memory_space<semaphore_mem>>, %arg9: memref<!tpu.dma_semaphore, #tpu.memory_space<semaphore_mem>>, %arg10: memref<!tpu.dma_semaphore, #tpu.memory_space<semaphore_mem>>) attributes {dimension_semantics = [#tpu.dimension_semantics<core_parallel>, #tpu.dimension_semantics<subcore_parallel>], iteration_bounds = array<i64: 2, 16>, scalar_prefetch = 0 : i64, scratch_operands = 6 : i64, tpu.core_type = #tpu.core_type<sc_vector_subcore>, window_params = [{transform_indices = #map}, {transform_indices = #map1}, {transform_indices = #map2}]} {
    %mul3A = arith.constant 2 : i32
    %mul3A_0 = arith.muli %arg1, %mul3A : i32
    %add3A = arith.addi %mul3A_0, %arg0 : i32
    %broadcast_in_dim3A = arith.constant 0 : i32
    %broadcast_in_dim3A_1 = vector.broadcast %broadcast_in_dim3A : i32 to vector<16xi32>
    %mul3A_2 = arith.constant 26 : i32
    %mul3A_3 = arith.muli %add3A, %mul3A_2 : i32
    %add3A_4 = arith.constant 0 : i32
    %add3A_5 = arith.addi %mul3A_3, %add3A_4 : i32
    %jit3A = arith.constant 32 : i32
    %div3A = arith.divsi %add3A_5, %jit3A : i32
    %sign3A = arith.constant 0 : i32
    %sign3A_6 = arith.cmpi sgt, %add3A_5, %sign3A : i32
    %sign3A_7 = arith.extui %sign3A_6 : i1 to i32
    %sign3A_8 = arith.constant 0 : i32
    %sign3A_9 = arith.cmpi slt, %add3A_5, %sign3A_8 : i32
    %sign3A_10 = arith.extui %sign3A_9 : i1 to i32
    %sign3A_11 = arith.subi %sign3A_7, %sign3A_10 : i32
    %sign3A_12 = arith.constant 0 : i32
    %sign3A_13 = arith.cmpi sgt, %jit3A, %sign3A_12 : i32
    %sign3A_14 = arith.extui %sign3A_13 : i1 to i32
    %sign3A_15 = arith.constant 0 : i32
    %sign3A_16 = arith.cmpi slt, %jit3A, %sign3A_15 : i32
    %sign3A_17 = arith.extui %sign3A_16 : i1 to i32
    %sign3A_18 = arith.subi %sign3A_14, %sign3A_17 : i32
    %ne3A = arith.cmpi ne, %sign3A_11, %sign3A_18 : i32
    %rem3A = arith.remsi %add3A_5, %jit3A : i32
    %ne3A_19 = arith.constant 0 : i32
    %ne3A_20 = arith.cmpi ne, %rem3A, %ne3A_19 : i32
    %and3A = arith.andi %ne3A, %ne3A_20 : i1
    %sub3A = arith.constant 1 : i32
    %sub3A_21 = arith.subi %div3A, %sub3A : i32
    %select_n3A = arith.select %and3A, %sub3A_21, %div3A : i32
    %rem3A_22 = arith.constant 32 : i32
    %rem3A_23 = arith.remsi %add3A_5, %rem3A_22 : i32
    %jit3A_24 = arith.constant 8 : i32
    %div3A_25 = arith.divsi %rem3A_23, %jit3A_24 : i32
    %sign3A_26 = arith.constant 0 : i32
    %sign3A_27 = arith.cmpi sgt, %rem3A_23, %sign3A_26 : i32
    %sign3A_28 = arith.extui %sign3A_27 : i1 to i32
    %sign3A_29 = arith.constant 0 : i32
    %sign3A_30 = arith.cmpi slt, %rem3A_23, %sign3A_29 : i32
    %sign3A_31 = arith.extui %sign3A_30 : i1 to i32
    %sign3A_32 = arith.subi %sign3A_28, %sign3A_31 : i32
    %sign3A_33 = arith.constant 0 : i32
    %sign3A_34 = arith.cmpi sgt, %jit3A_24, %sign3A_33 : i32
    %sign3A_35 = arith.extui %sign3A_34 : i1 to i32
    %sign3A_36 = arith.constant 0 : i32
    %sign3A_37 = arith.cmpi slt, %jit3A_24, %sign3A_36 : i32
    %sign3A_38 = arith.extui %sign3A_37 : i1 to i32
    %sign3A_39 = arith.subi %sign3A_35, %sign3A_38 : i32
    %ne3A_40 = arith.cmpi ne, %sign3A_32, %sign3A_39 : i32
    %rem3A_41 = arith.remsi %rem3A_23, %jit3A_24 : i32
    %ne3A_42 = arith.constant 0 : i32
    %ne3A_43 = arith.cmpi ne, %rem3A_41, %ne3A_42 : i32
    %and3A_44 = arith.andi %ne3A_40, %ne3A_43 : i1
    %sub3A_45 = arith.constant 1 : i32
    %sub3A_46 = arith.subi %div3A_25, %sub3A_45 : i32
    %select_n3A_47 = arith.select %and3A_44, %sub3A_46, %div3A_25 : i32
    %rem3A_48 = arith.constant 8 : i32
    %rem3A_49 = arith.remsi %rem3A_23, %rem3A_48 : i32
    %mul3A_50 = arith.constant 100000 : i32
    %mul3A_51 = arith.muli %select_n3A, %mul3A_50 : i32
    %jit3A_52 = arith.constant 128 : i32
    %div3A_53 = arith.divsi %mul3A_51, %jit3A_52 : i32
    %sign3A_54 = arith.constant 0 : i32
    %sign3A_55 = arith.cmpi sgt, %mul3A_51, %sign3A_54 : i32
    %sign3A_56 = arith.extui %sign3A_55 : i1 to i32
    %sign3A_57 = arith.constant 0 : i32
    %sign3A_58 = arith.cmpi slt, %mul3A_51, %sign3A_57 : i32
    %sign3A_59 = arith.extui %sign3A_58 : i1 to i32
    %sign3A_60 = arith.subi %sign3A_56, %sign3A_59 : i32
    %sign3A_61 = arith.constant 0 : i32
    %sign3A_62 = arith.cmpi sgt, %jit3A_52, %sign3A_61 : i32
    %sign3A_63 = arith.extui %sign3A_62 : i1 to i32
    %sign3A_64 = arith.constant 0 : i32
    %sign3A_65 = arith.cmpi slt, %jit3A_52, %sign3A_64 : i32
    %sign3A_66 = arith.extui %sign3A_65 : i1 to i32
    %sign3A_67 = arith.subi %sign3A_63, %sign3A_66 : i32
    %ne3A_68 = arith.cmpi ne, %sign3A_60, %sign3A_67 : i32
    %rem3A_69 = arith.remsi %mul3A_51, %jit3A_52 : i32
    %ne3A_70 = arith.constant 0 : i32
    %ne3A_71 = arith.cmpi ne, %rem3A_69, %ne3A_70 : i32
    %and3A_72 = arith.andi %ne3A_68, %ne3A_71 : i1
    %sub3A_73 = arith.constant 1 : i32
    %sub3A_74 = arith.subi %div3A_53, %sub3A_73 : i32
    %select_n3A_75 = arith.select %and3A_72, %sub3A_74, %div3A_53 : i32
    %min3A = arith.constant 19530 : i32
    %min3A_76 = arith.minsi %select_n3A_75, %min3A : i32
    %mul3A_77 = arith.constant 128 : i32
    %mul3A_78 = arith.muli %min3A_76, %mul3A_77 : i32
    %sub3A_79 = arith.subi %mul3A_51, %mul3A_78 : i32
    %dma_start3A = arith.constant 0 : i32
    %dma_start3A_80 = tpu.memref_slice %arg3[%select_n3A_47, %min3A_76, %rem3A_49, %dma_start3A] : memref<4x20313x8x128xf32, #tpu.memory_space<hbm>> -> memref<1x783x1x128xf32, #tpu.memory_space<hbm>>
    %dma_start3A_81 = tpu.memref_squeeze %dma_start3A_80 : memref<1x783x1x128xf32, #tpu.memory_space<hbm>> -> memref<783x1x128xf32, #tpu.memory_space<hbm>>
    %dma_start3A_82 = arith.constant 0 : i32
    %dma_start3A_83 = tpu.memref_slice %arg3[%select_n3A_47, %min3A_76, %rem3A_49, %dma_start3A_82] : memref<4x20313x8x128xf32, #tpu.memory_space<hbm>> -> memref<1x783x1x128xf32, #tpu.memory_space<hbm>>
    %dma_start3A_84 = tpu.memref_squeeze %dma_start3A_83 : memref<1x783x1x128xf32, #tpu.memory_space<hbm>> -> memref<783x1x128xf32, #tpu.memory_space<hbm>>
    tpu.enqueue_dma source(%dma_start3A_84 : memref<783x1x128xf32, #tpu.memory_space<hbm>>) target(%arg5 : memref<783x1x128xf32, #tpu.memory_space<vmem>>) target_semaphore(%arg8 : memref<!tpu.dma_semaphore, #tpu.memory_space<semaphore_mem>>)
    %mul3A_85 = arith.constant 26 : i32
    %mul3A_86 = arith.muli %add3A, %mul3A_85 : i32
    %add3A_87 = arith.constant 0 : i32
    %add3A_88 = arith.addi %mul3A_86, %add3A_87 : i32
    %jit3A_89 = arith.constant 32 : i32
    %div3A_90 = arith.divsi %add3A_88, %jit3A_89 : i32
    %sign3A_91 = arith.constant 0 : i32
    %sign3A_92 = arith.cmpi sgt, %add3A_88, %sign3A_91 : i32
    %sign3A_93 = arith.extui %sign3A_92 : i1 to i32
    %sign3A_94 = arith.constant 0 : i32
    %sign3A_95 = arith.cmpi slt, %add3A_88, %sign3A_94 : i32
    %sign3A_96 = arith.extui %sign3A_95 : i1 to i32
    %sign3A_97 = arith.subi %sign3A_93, %sign3A_96 : i32
    %sign3A_98 = arith.constant 0 : i32
    %sign3A_99 = arith.cmpi sgt, %jit3A_89, %sign3A_98 : i32
    %sign3A_100 = arith.extui %sign3A_99 : i1 to i32
    %sign3A_101 = arith.constant 0 : i32
    %sign3A_102 = arith.cmpi slt, %jit3A_89, %sign3A_101 : i32
    %sign3A_103 = arith.extui %sign3A_102 : i1 to i32
    %sign3A_104 = arith.subi %sign3A_100, %sign3A_103 : i32
    %ne3A_105 = arith.cmpi ne, %sign3A_97, %sign3A_104 : i32
    %rem3A_106 = arith.remsi %add3A_88, %jit3A_89 : i32
    %ne3A_107 = arith.constant 0 : i32
    %ne3A_108 = arith.cmpi ne, %rem3A_106, %ne3A_107 : i32
    %and3A_109 = arith.andi %ne3A_105, %ne3A_108 : i1
    %sub3A_110 = arith.constant 1 : i32
    %sub3A_111 = arith.subi %div3A_90, %sub3A_110 : i32
    %select_n3A_112 = arith.select %and3A_109, %sub3A_111, %div3A_90 : i32
    %rem3A_113 = arith.constant 32 : i32
    %rem3A_114 = arith.remsi %add3A_88, %rem3A_113 : i32
    %jit3A_115 = arith.constant 8 : i32
    %div3A_116 = arith.divsi %rem3A_114, %jit3A_115 : i32
    %sign3A_117 = arith.constant 0 : i32
    %sign3A_118 = arith.cmpi sgt, %rem3A_114, %sign3A_117 : i32
    %sign3A_119 = arith.extui %sign3A_118 : i1 to i32
    %sign3A_120 = arith.constant 0 : i32
    %sign3A_121 = arith.cmpi slt, %rem3A_114, %sign3A_120 : i32
    %sign3A_122 = arith.extui %sign3A_121 : i1 to i32
    %sign3A_123 = arith.subi %sign3A_119, %sign3A_122 : i32
    %sign3A_124 = arith.constant 0 : i32
    %sign3A_125 = arith.cmpi sgt, %jit3A_115, %sign3A_124 : i32
    %sign3A_126 = arith.extui %sign3A_125 : i1 to i32
    %sign3A_127 = arith.constant 0 : i32
    %sign3A_128 = arith.cmpi slt, %jit3A_115, %sign3A_127 : i32
    %sign3A_129 = arith.extui %sign3A_128 : i1 to i32
    %sign3A_130 = arith.subi %sign3A_126, %sign3A_129 : i32
    %ne3A_131 = arith.cmpi ne, %sign3A_123, %sign3A_130 : i32
    %rem3A_132 = arith.remsi %rem3A_114, %jit3A_115 : i32
    %ne3A_133 = arith.constant 0 : i32
    %ne3A_134 = arith.cmpi ne, %rem3A_132, %ne3A_133 : i32
    %and3A_135 = arith.andi %ne3A_131, %ne3A_134 : i1
    %sub3A_136 = arith.constant 1 : i32
    %sub3A_137 = arith.subi %div3A_116, %sub3A_136 : i32
    %select_n3A_138 = arith.select %and3A_135, %sub3A_137, %div3A_116 : i32
    %rem3A_139 = arith.constant 8 : i32
    %rem3A_140 = arith.remsi %rem3A_114, %rem3A_139 : i32
    %mul3A_141 = arith.constant 100000 : i32
    %mul3A_142 = arith.muli %select_n3A_112, %mul3A_141 : i32
    %jit3A_143 = arith.constant 128 : i32
    %div3A_144 = arith.divsi %mul3A_142, %jit3A_143 : i32
    %sign3A_145 = arith.constant 0 : i32
    %sign3A_146 = arith.cmpi sgt, %mul3A_142, %sign3A_145 : i32
    %sign3A_147 = arith.extui %sign3A_146 : i1 to i32
    %sign3A_148 = arith.constant 0 : i32
    %sign3A_149 = arith.cmpi slt, %mul3A_142, %sign3A_148 : i32
    %sign3A_150 = arith.extui %sign3A_149 : i1 to i32
    %sign3A_151 = arith.subi %sign3A_147, %sign3A_150 : i32
    %sign3A_152 = arith.constant 0 : i32
    %sign3A_153 = arith.cmpi sgt, %jit3A_143, %sign3A_152 : i32
    %sign3A_154 = arith.extui %sign3A_153 : i1 to i32
    %sign3A_155 = arith.constant 0 : i32
    %sign3A_156 = arith.cmpi slt, %jit3A_143, %sign3A_155 : i32
    %sign3A_157 = arith.extui %sign3A_156 : i1 to i32
    %sign3A_158 = arith.subi %sign3A_154, %sign3A_157 : i32
    %ne3A_159 = arith.cmpi ne, %sign3A_151, %sign3A_158 : i32
    %rem3A_160 = arith.remsi %mul3A_142, %jit3A_143 : i32
    %ne3A_161 = arith.constant 0 : i32
    %ne3A_162 = arith.cmpi ne, %rem3A_160, %ne3A_161 : i32
    %and3A_163 = arith.andi %ne3A_159, %ne3A_162 : i1
    %sub3A_164 = arith.constant 1 : i32
    %sub3A_165 = arith.subi %div3A_144, %sub3A_164 : i32
    %select_n3A_166 = arith.select %and3A_163, %sub3A_165, %div3A_144 : i32
    %min3A_167 = arith.constant 19530 : i32
    %min3A_168 = arith.minsi %select_n3A_166, %min3A_167 : i32
    %mul3A_169 = arith.constant 128 : i32
    %mul3A_170 = arith.muli %min3A_168, %mul3A_169 : i32
    %sub3A_171 = arith.subi %mul3A_142, %mul3A_170 : i32
    %mul3A_172 = arith.constant 16384 : i32
    %mul3A_173 = arith.muli %select_n3A_112, %mul3A_172 : i32
    %dma_start3A_174 = tpu.memref_slice %arg2[%mul3A_173] : memref<425984xi32, #tpu.memory_space<hbm>> -> memref<16384xi32, #tpu.memory_space<hbm>>
    %dma_start3A_175 = tpu.memref_slice %arg2[%mul3A_173] : memref<425984xi32, #tpu.memory_space<hbm>> -> memref<16384xi32, #tpu.memory_space<hbm>>
    tpu.enqueue_dma source(%dma_start3A_175 : memref<16384xi32, #tpu.memory_space<hbm>>) target(%arg6 : memref<16384xi32, #tpu.memory_space<vmem>>) target_semaphore(%arg9 : memref<!tpu.dma_semaphore, #tpu.memory_space<semaphore_mem>>)
    %dma_wait3A = arith.constant 0 : i32
    %dma_wait3A_176 = tpu.memref_slice %arg2[%dma_wait3A] : memref<425984xi32, #tpu.memory_space<hbm>> -> memref<16384xi32, #tpu.memory_space<hbm>>
    %dma_wait3A_177 = arith.constant 0 : i32
    %dma_wait3A_178 = tpu.memref_slice %arg2[%dma_wait3A_177] : memref<425984xi32, #tpu.memory_space<hbm>> -> memref<16384xi32, #tpu.memory_space<hbm>>
    tpu.wait_dma2 semaphore(%arg9 : memref<!tpu.dma_semaphore, #tpu.memory_space<semaphore_mem>>) src(%dma_wait3A_178 : memref<16384xi32, #tpu.memory_space<hbm>>) dst(%arg6 : memref<16384xi32, #tpu.memory_space<vmem>>)
    %scan3A = arith.constant 0 : i32
    %scan3A_179 = arith.constant 0 : i32
    %scan3A_180 = arith.constant 26 : i32
    %scan3A_181 = arith.addi %scan3A_179, %scan3A_180 : i32
    %scan3A_182 = arith.constant 1 : i32
    scf.for %scan3A_230 = %scan3A_179 to %scan3A_181 step %scan3A_182  : i32 {
      %mul3A_231 = arith.constant 26 : i32
      %mul3A_232 = arith.muli %add3A, %mul3A_231 : i32
      %add3A_233 = arith.addi %mul3A_232, %scan3A_230 : i32
      %jit3A_234 = arith.constant 32 : i32
      %div3A_235 = arith.divsi %add3A_233, %jit3A_234 : i32
      %sign3A_236 = arith.constant 0 : i32
      %sign3A_237 = arith.cmpi sgt, %add3A_233, %sign3A_236 : i32
      %sign3A_238 = arith.extui %sign3A_237 : i1 to i32
      %sign3A_239 = arith.constant 0 : i32
      %sign3A_240 = arith.cmpi slt, %add3A_233, %sign3A_239 : i32
      %sign3A_241 = arith.extui %sign3A_240 : i1 to i32
      %sign3A_242 = arith.subi %sign3A_238, %sign3A_241 : i32
      %sign3A_243 = arith.constant 0 : i32
      %sign3A_244 = arith.cmpi sgt, %jit3A_234, %sign3A_243 : i32
      %sign3A_245 = arith.extui %sign3A_244 : i1 to i32
      %sign3A_246 = arith.constant 0 : i32
      %sign3A_247 = arith.cmpi slt, %jit3A_234, %sign3A_246 : i32
      %sign3A_248 = arith.extui %sign3A_247 : i1 to i32
      %sign3A_249 = arith.subi %sign3A_245, %sign3A_248 : i32
      %ne3A_250 = arith.cmpi ne, %sign3A_242, %sign3A_249 : i32
      %rem3A_251 = arith.remsi %add3A_233, %jit3A_234 : i32
      %ne3A_252 = arith.constant 0 : i32
      %ne3A_253 = arith.cmpi ne, %rem3A_251, %ne3A_252 : i32
      %and3A_254 = arith.andi %ne3A_250, %ne3A_253 : i1
      %sub3A_255 = arith.constant 1 : i32
      %sub3A_256 = arith.subi %div3A_235, %sub3A_255 : i32
      %select_n3A_257 = arith.select %and3A_254, %sub3A_256, %div3A_235 : i32
      %rem3A_258 = arith.constant 32 : i32
      %rem3A_259 = arith.remsi %add3A_233, %rem3A_258 : i32
      %jit3A_260 = arith.constant 8 : i32
      %div3A_261 = arith.divsi %rem3A_259, %jit3A_260 : i32
      %sign3A_262 = arith.constant 0 : i32
      %sign3A_263 = arith.cmpi sgt, %rem3A_259, %sign3A_262 : i32
      %sign3A_264 = arith.extui %sign3A_263 : i1 to i32
      %sign3A_265 = arith.constant 0 : i32
      %sign3A_266 = arith.cmpi slt, %rem3A_259, %sign3A_265 : i32
      %sign3A_267 = arith.extui %sign3A_266 : i1 to i32
      %sign3A_268 = arith.subi %sign3A_264, %sign3A_267 : i32
      %sign3A_269 = arith.constant 0 : i32
      %sign3A_270 = arith.cmpi sgt, %jit3A_260, %sign3A_269 : i32
      %sign3A_271 = arith.extui %sign3A_270 : i1 to i32
      %sign3A_272 = arith.constant 0 : i32
      %sign3A_273 = arith.cmpi slt, %jit3A_260, %sign3A_272 : i32
      %sign3A_274 = arith.extui %sign3A_273 : i1 to i32
      %sign3A_275 = arith.subi %sign3A_271, %sign3A_274 : i32
      %ne3A_276 = arith.cmpi ne, %sign3A_268, %sign3A_275 : i32
      %rem3A_277 = arith.remsi %rem3A_259, %jit3A_260 : i32
      %ne3A_278 = arith.constant 0 : i32
      %ne3A_279 = arith.cmpi ne, %rem3A_277, %ne3A_278 : i32
      %and3A_280 = arith.andi %ne3A_276, %ne3A_279 : i1
      %sub3A_281 = arith.constant 1 : i32
      %sub3A_282 = arith.subi %div3A_261, %sub3A_281 : i32
      %select_n3A_283 = arith.select %and3A_280, %sub3A_282, %div3A_261 : i32
      %rem3A_284 = arith.constant 8 : i32
      %rem3A_285 = arith.remsi %rem3A_259, %rem3A_284 : i32
      %mul3A_286 = arith.constant 100000 : i32
      %mul3A_287 = arith.muli %select_n3A_257, %mul3A_286 : i32
      %jit3A_288 = arith.constant 128 : i32
      %div3A_289 = arith.divsi %mul3A_287, %jit3A_288 : i32
      %sign3A_290 = arith.constant 0 : i32
      %sign3A_291 = arith.cmpi sgt, %mul3A_287, %sign3A_290 : i32
      %sign3A_292 = arith.extui %sign3A_291 : i1 to i32
      %sign3A_293 = arith.constant 0 : i32
      %sign3A_294 = arith.cmpi slt, %mul3A_287, %sign3A_293 : i32
      %sign3A_295 = arith.extui %sign3A_294 : i1 to i32
      %sign3A_296 = arith.subi %sign3A_292, %sign3A_295 : i32
      %sign3A_297 = arith.constant 0 : i32
      %sign3A_298 = arith.cmpi sgt, %jit3A_288, %sign3A_297 : i32
      %sign3A_299 = arith.extui %sign3A_298 : i1 to i32
      %sign3A_300 = arith.constant 0 : i32
      %sign3A_301 = arith.cmpi slt, %jit3A_288, %sign3A_300 : i32
      %sign3A_302 = arith.extui %sign3A_301 : i1 to i32
      %sign3A_303 = arith.subi %sign3A_299, %sign3A_302 : i32
      %ne3A_304 = arith.cmpi ne, %sign3A_296, %sign3A_303 : i32
      %rem3A_305 = arith.remsi %mul3A_287, %jit3A_288 : i32
      %ne3A_306 = arith.constant 0 : i32
      %ne3A_307 = arith.cmpi ne, %rem3A_305, %ne3A_306 : i32
      %and3A_308 = arith.andi %ne3A_304, %ne3A_307 : i1
      %sub3A_309 = arith.constant 1 : i32
      %sub3A_310 = arith.subi %div3A_289, %sub3A_309 : i32
      %select_n3A_311 = arith.select %and3A_308, %sub3A_310, %div3A_289 : i32
      %min3A_312 = arith.constant 19530 : i32
      %min3A_313 = arith.minsi %select_n3A_311, %min3A_312 : i32
      %mul3A_314 = arith.constant 128 : i32
      %mul3A_315 = arith.muli %min3A_313, %mul3A_314 : i32
      %sub3A_316 = arith.subi %mul3A_287, %mul3A_315 : i32
      %dma_wait3A_317 = arith.constant 0 : i32
      %dma_wait3A_318 = arith.constant 0 : i32
      %dma_wait3A_319 = arith.constant 0 : i32
      %dma_wait3A_320 = arith.constant 0 : i32
      %dma_wait3A_321 = tpu.memref_slice %arg3[%dma_wait3A_317, %dma_wait3A_318, %dma_wait3A_319, %dma_wait3A_320] : memref<4x20313x8x128xf32, #tpu.memory_space<hbm>> -> memref<1x783x1x128xf32, #tpu.memory_space<hbm>>
      %dma_wait3A_322 = tpu.memref_squeeze %dma_wait3A_321 : memref<1x783x1x128xf32, #tpu.memory_space<hbm>> -> memref<783x1x128xf32, #tpu.memory_space<hbm>>
      %dma_wait3A_323 = arith.constant 0 : i32
      %dma_wait3A_324 = arith.constant 0 : i32
      %dma_wait3A_325 = arith.constant 0 : i32
      %dma_wait3A_326 = tpu.memref_slice %arg3[%dma_wait3A_317, %dma_wait3A_323, %dma_wait3A_324, %dma_wait3A_325] : memref<4x20313x8x128xf32, #tpu.memory_space<hbm>> -> memref<1x783x1x128xf32, #tpu.memory_space<hbm>>
      %dma_wait3A_327 = tpu.memref_squeeze %dma_wait3A_326 : memref<1x783x1x128xf32, #tpu.memory_space<hbm>> -> memref<783x1x128xf32, #tpu.memory_space<hbm>>
      tpu.wait_dma2 semaphore(%arg8 : memref<!tpu.dma_semaphore, #tpu.memory_space<semaphore_mem>>) src(%dma_wait3A_327 : memref<783x1x128xf32, #tpu.memory_space<hbm>>) dst(%arg5 : memref<783x1x128xf32, #tpu.memory_space<vmem>>)
      %gt3A = arith.constant 0 : i32
      %gt3A_328 = arith.cmpi sgt, %scan3A_230, %gt3A : i32
      %or3A = arith.constant false
      %or3A_329 = arith.ori %gt3A_328, %or3A : i1
      %convert_element_type3A = arith.extui %or3A_329 : i1 to i32
      %cond3A = arith.constant 0 : i32
      %cond3A_330 = arith.cmpi ne, %convert_element_type3A, %cond3A : i32
      scf.if %cond3A_330 {
        %dma_wait3A_458 = arith.constant 0 : i32
        %dma_wait3A_459 = arith.constant 0 : i32
        %dma_wait3A_460 = arith.constant 0 : i32
        %dma_wait3A_461 = arith.constant 0 : i32
        %dma_wait3A_462 = arith.constant 0 : i32
        %dma_wait3A_463 = arith.constant 0 : i32
        %dma_wait3A_464 = tpu.memref_slice %arg7[%dma_wait3A_458, %dma_wait3A_461, %dma_wait3A_462, %dma_wait3A_463] : memref<2x32x1x128xf32, #tpu.memory_space<vmem>> -> memref<1x32x1x128xf32, #tpu.memory_space<vmem>>
        %dma_wait3A_465 = tpu.memref_squeeze %dma_wait3A_464 : memref<1x32x1x128xf32, #tpu.memory_space<vmem>> -> memref<32x1x128xf32, #tpu.memory_space<vmem>>
        %dma_wait3A_466 = arith.constant 0 : i32
        %dma_wait3A_467 = arith.constant 0 : i32
        %dma_wait3A_468 = arith.constant 0 : i32
        %dma_wait3A_469 = tpu.memref_slice %arg4[%dma_wait3A_459, %dma_wait3A_460, %dma_wait3A_466, %dma_wait3A_467, %dma_wait3A_468] : memref<26x4x128x8x128xf32, #tpu.memory_space<hbm>> -> memref<1x1x32x1x128xf32, #tpu.memory_space<hbm>>
        %dma_wait3A_470 = tpu.memref_squeeze %dma_wait3A_469 : memref<1x1x32x1x128xf32, #tpu.memory_space<hbm>> -> memref<32x1x128xf32, #tpu.memory_space<hbm>>
        %dma_wait3A_471 = arith.constant 0 : i32
        %dma_wait3A_472 = arith.constant 0 : i32
        %dma_wait3A_473 = arith.constant 0 : i32
        %dma_wait3A_474 = tpu.memref_slice %arg4[%dma_wait3A_459, %dma_wait3A_460, %dma_wait3A_471, %dma_wait3A_472, %dma_wait3A_473] : memref<26x4x128x8x128xf32, #tpu.memory_space<hbm>> -> memref<1x1x32x1x128xf32, #tpu.memory_space<hbm>>
        %dma_wait3A_475 = tpu.memref_squeeze %dma_wait3A_474 : memref<1x1x32x1x128xf32, #tpu.memory_space<hbm>> -> memref<32x1x128xf32, #tpu.memory_space<hbm>>
        %dma_wait3A_476 = arith.constant 0 : i32
        %dma_wait3A_477 = arith.constant 0 : i32
        %dma_wait3A_478 = arith.constant 0 : i32
        %dma_wait3A_479 = tpu.memref_slice %arg7[%dma_wait3A_458, %dma_wait3A_476, %dma_wait3A_477, %dma_wait3A_478] : memref<2x32x1x128xf32, #tpu.memory_space<vmem>> -> memref<1x32x1x128xf32, #tpu.memory_space<vmem>>
        %dma_wait3A_480 = tpu.memref_squeeze %dma_wait3A_479 : memref<1x32x1x128xf32, #tpu.memory_space<vmem>> -> memref<32x1x128xf32, #tpu.memory_space<vmem>>
        tpu.wait_dma2 semaphore(%arg10 : memref<!tpu.dma_semaphore, #tpu.memory_space<semaphore_mem>>) src(%dma_wait3A_480 : memref<32x1x128xf32, #tpu.memory_space<vmem>>) dst(%dma_wait3A_475 : memref<32x1x128xf32, #tpu.memory_space<hbm>>)
      } else {
      }
      %scan3A_331 = arith.constant 0 : i32
      %scan3A_332 = arith.constant 0 : i32
      %scan3A_333 = arith.constant 32 : i32
      %scan3A_334 = arith.addi %scan3A_332, %scan3A_333 : i32
      %scan3A_335 = arith.constant 1 : i32
      scf.for %scan3A_458 = %scan3A_332 to %scan3A_334 step %scan3A_335  : i32 {
        %mul3A_459 = arith.constant 128 : i32
        %mul3A_460 = arith.muli %scan3A_458, %mul3A_459 : i32
        %add3A_461 = arith.constant 0 : i32
        %add3A_462 = arith.addi %add3A_461, %mul3A_460 : i32
        %add3A_463 = arith.constant 0 : i32
        %add3A_464 = arith.addi %add3A_462, %add3A_463 : i32
        %get3A = arith.index_cast %add3A_464 : i32 to index
        %get3A_465 = tpu.vector_load %arg6[%get3A] {strides = array<i32>} : memref<16384xi32, #tpu.memory_space<vmem>>, vector<16xi32>,
        %add3A_466 = vector.broadcast %sub3A_316 : i32 to vector<16xi32>
        %add3A_467 = arith.addi %get3A_465, %add3A_466 : vector<16xi32>
        %shift_right_arithmetic3A = arith.constant 7 : i32
        %shift_right_arithmetic3A_468 = vector.broadcast %shift_right_arithmetic3A : i32 to vector<16xi32>
        %shift_right_arithmetic3A_469 = arith.shrsi %add3A_467, %shift_right_arithmetic3A_468 : vector<16xi32>
        %and3A_470 = arith.constant 127 : i32
        %and3A_471 = vector.broadcast %and3A_470 : i32 to vector<16xi32>
        %and3A_472 = arith.andi %add3A_467, %and3A_471 : vector<16xi32>
        %gather3A = tpu.vector_load_idx %arg5[%shift_right_arithmetic3A_469, %broadcast_in_dim3A_1, %and3A_472] : memref<783x1x128xf32, #tpu.memory_space<vmem>>[vector<16xi32>, vector<16xi32>, vector<16xi32>], vector<16xf32>,
        %swap3A = arith.constant 0 : i32
        %swap3A_473 = arith.constant 0 : i32
        %swap3A_474 = arith.index_cast %swap3A : i32 to index
        %swap3A_475 = arith.index_cast %scan3A_458 : i32 to index
        %swap3A_476 = arith.index_cast %swap3A_473 : i32 to index
        %swap3A_477 = arith.constant 0 : index
        %swap3A_478 = tpu.vector_load %arg7[%swap3A_474, %swap3A_475, %swap3A_476, %swap3A_477] {strides = array<i32>} : memref<2x32x1x128xf32, #tpu.memory_space<vmem>>, vector<16xf32>,
        tpu.vector_store %arg7[%swap3A_474, %swap3A_475, %swap3A_476, %swap3A_477], %gather3A {strides = array<i32>} : memref<2x32x1x128xf32, #tpu.memory_space<vmem>>, vector<16xf32>,
        %mul3A_479 = arith.constant 128 : i32
        %mul3A_480 = arith.muli %scan3A_458, %mul3A_479 : i32
        %add3A_481 = arith.constant 0 : i32
        %add3A_482 = arith.addi %add3A_481, %mul3A_480 : i32
        %add3A_483 = arith.constant 16 : i32
        %add3A_484 = arith.addi %add3A_482, %add3A_483 : i32
        %get3A_485 = arith.index_cast %add3A_484 : i32 to index
        %get3A_486 = tpu.vector_load %arg6[%get3A_485] {strides = array<i32>} : memref<16384xi32, #tpu.memory_space<vmem>>, vector<16xi32>,
        %add3A_487 = vector.broadcast %sub3A_316 : i32 to vector<16xi32>
        %add3A_488 = arith.addi %get3A_486, %add3A_487 : vector<16xi32>
        %shift_right_arithmetic3A_489 = arith.constant 7 : i32
        %shift_right_arithmetic3A_490 = vector.broadcast %shift_right_arithmetic3A_489 : i32 to vector<16xi32>
        %shift_right_arithmetic3A_491 = arith.shrsi %add3A_488, %shift_right_arithmetic3A_490 : vector<16xi32>
        %and3A_492 = arith.constant 127 : i32
        %and3A_493 = vector.broadcast %and3A_492 : i32 to vector<16xi32>
        %and3A_494 = arith.andi %add3A_488, %and3A_493 : vector<16xi32>
        %gather3A_495 = tpu.vector_load_idx %arg5[%shift_right_arithmetic3A_491, %broadcast_in_dim3A_1, %and3A_494] : memref<783x1x128xf32, #tpu.memory_space<vmem>>[vector<16xi32>, vector<16xi32>, vector<16xi32>], vector<16xf32>,
        %swap3A_496 = arith.constant 0 : i32
        %swap3A_497 = arith.constant 0 : i32
        %swap3A_498 = arith.index_cast %swap3A_496 : i32 to index
        %swap3A_499 = arith.index_cast %scan3A_458 : i32 to index
        %swap3A_500 = arith.index_cast %swap3A_497 : i32 to index
        %swap3A_501 = arith.constant 16 : index
        %swap3A_502 = tpu.vector_load %arg7[%swap3A_498, %swap3A_499, %swap3A_500, %swap3A_501] {strides = array<i32>} : memref<2x32x1x128xf32, #tpu.memory_space<vmem>>, vector<16xf32>,
        tpu.vector_store %arg7[%swap3A_498, %swap3A_499, %swap3A_500, %swap3A_501], %gather3A_495 {strides = array<i32>} : memref<2x32x1x128xf32, #tpu.memory_space<vmem>>, vector<16xf32>,
        %mul3A_503 = arith.constant 128 : i32
        %mul3A_504 = arith.muli %scan3A_458, %mul3A_503 : i32
        %add3A_505 = arith.constant 0 : i32
        %add3A_506 = arith.addi %add3A_505, %mul3A_504 : i32
        %add3A_507 = arith.constant 32 : i32
        %add3A_508 = arith.addi %add3A_506, %add3A_507 : i32
        %get3A_509 = arith.index_cast %add3A_508 : i32 to index
        %get3A_510 = tpu.vector_load %arg6[%get3A_509] {strides = array<i32>} : memref<16384xi32, #tpu.memory_space<vmem>>, vector<16xi32>,
        %add3A_511 = vector.broadcast %sub3A_316 : i32 to vector<16xi32>
        %add3A_512 = arith.addi %get3A_510, %add3A_511 : vector<16xi32>
        %shift_right_arithmetic3A_513 = arith.constant 7 : i32
        %shift_right_arithmetic3A_514 = vector.broadcast %shift_right_arithmetic3A_513 : i32 to vector<16xi32>
        %shift_right_arithmetic3A_515 = arith.shrsi %add3A_512, %shift_right_arithmetic3A_514 : vector<16xi32>
        %and3A_516 = arith.constant 127 : i32
        %and3A_517 = vector.broadcast %and3A_516 : i32 to vector<16xi32>
        %and3A_518 = arith.andi %add3A_512, %and3A_517 : vector<16xi32>
        %gather3A_519 = tpu.vector_load_idx %arg5[%shift_right_arithmetic3A_515, %broadcast_in_dim3A_1, %and3A_518] : memref<783x1x128xf32, #tpu.memory_space<vmem>>[vector<16xi32>, vector<16xi32>, vector<16xi32>], vector<16xf32>,
        %swap3A_520 = arith.constant 0 : i32
        %swap3A_521 = arith.constant 0 : i32
        %swap3A_522 = arith.index_cast %swap3A_520 : i32 to index
        %swap3A_523 = arith.index_cast %scan3A_458 : i32 to index
        %swap3A_524 = arith.index_cast %swap3A_521 : i32 to index
        %swap3A_525 = arith.constant 32 : index
        %swap3A_526 = tpu.vector_load %arg7[%swap3A_522, %swap3A_523, %swap3A_524, %swap3A_525] {strides = array<i32>} : memref<2x32x1x128xf32, #tpu.memory_space<vmem>>, vector<16xf32>,
        tpu.vector_store %arg7[%swap3A_522, %swap3A_523, %swap3A_524, %swap3A_525], %gather3A_519 {strides = array<i32>} : memref<2x32x1x128xf32, #tpu.memory_space<vmem>>, vector<16xf32>,
        %mul3A_527 = arith.constant 128 : i32
        %mul3A_528 = arith.muli %scan3A_458, %mul3A_527 : i32
        %add3A_529 = arith.constant 0 : i32
        %add3A_530 = arith.addi %add3A_529, %mul3A_528 : i32
        %add3A_531 = arith.constant 48 : i32
        %add3A_532 = arith.addi %add3A_530, %add3A_531 : i32
        %get3A_533 = arith.index_cast %add3A_532 : i32 to index
        %get3A_534 = tpu.vector_load %arg6[%get3A_533] {strides = array<i32>} : memref<16384xi32, #tpu.memory_space<vmem>>, vector<16xi32>,
        %add3A_535 = vector.broadcast %sub3A_316 : i32 to vector<16xi32>
        %add3A_536 = arith.addi %get3A_534, %add3A_535 : vector<16xi32>
        %shift_right_arithmetic3A_537 = arith.constant 7 : i32
        %shift_right_arithmetic3A_538 = vector.broadcast %shift_right_arithmetic3A_537 : i32 to vector<16xi32>
        %shift_right_arithmetic3A_539 = arith.shrsi %add3A_536, %shift_right_arithmetic3A_538 : vector<16xi32>
        %and3A_540 = arith.constant 127 : i32
        %and3A_541 = vector.broadcast %and3A_540 : i32 to vector<16xi32>
        %and3A_542 = arith.andi %add3A_536, %and3A_541 : vector<16xi32>
        %gather3A_543 = tpu.vector_load_idx %arg5[%shift_right_arithmetic3A_539, %broadcast_in_dim3A_1, %and3A_542] : memref<783x1x128xf32, #tpu.memory_space<vmem>>[vector<16xi32>, vector<16xi32>, vector<16xi32>], vector<16xf32>,
        %swap3A_544 = arith.constant 0 : i32
        %swap3A_545 = arith.constant 0 : i32
        %swap3A_546 = arith.index_cast %swap3A_544 : i32 to index
        %swap3A_547 = arith.index_cast %scan3A_458 : i32 to index
        %swap3A_548 = arith.index_cast %swap3A_545 : i32 to index
        %swap3A_549 = arith.constant 48 : index
        %swap3A_550 = tpu.vector_load %arg7[%swap3A_546, %swap3A_547, %swap3A_548, %swap3A_549] {strides = array<i32>} : memref<2x32x1x128xf32, #tpu.memory_space<vmem>>, vector<16xf32>,
        tpu.vector_store %arg7[%swap3A_546, %swap3A_547, %swap3A_548, %swap3A_549], %gather3A_543 {strides = array<i32>} : memref<2x32x1x128xf32, #tpu.memory_space<vmem>>, vector<16xf32>,
        %mul3A_551 = arith.constant 128 : i32
        %mul3A_552 = arith.muli %scan3A_458, %mul3A_551 : i32
        %add3A_553 = arith.constant 0 : i32
        %add3A_554 = arith.addi %add3A_553, %mul3A_552 : i32
        %add3A_555 = arith.constant 64 : i32
        %add3A_556 = arith.addi %add3A_554, %add3A_555 : i32
        %get3A_557 = arith.index_cast %add3A_556 : i32 to index
        %get3A_558 = tpu.vector_load %arg6[%get3A_557] {strides = array<i32>} : memref<16384xi32, #tpu.memory_space<vmem>>, vector<16xi32>,
        %add3A_559 = vector.broadcast %sub3A_316 : i32 to vector<16xi32>
        %add3A_560 = arith.addi %get3A_558, %add3A_559 : vector<16xi32>
        %shift_right_arithmetic3A_561 = arith.constant 7 : i32
        %shift_right_arithmetic3A_562 = vector.broadcast %shift_right_arithmetic3A_561 : i32 to vector<16xi32>
        %shift_right_arithmetic3A_563 = arith.shrsi %add3A_560, %shift_right_arithmetic3A_562 : vector<16xi32>
        %and3A_564 = arith.constant 127 : i32
        %and3A_565 = vector.broadcast %and3A_564 : i32 to vector<16xi32>
        %and3A_566 = arith.andi %add3A_560, %and3A_565 : vector<16xi32>
        %gather3A_567 = tpu.vector_load_idx %arg5[%shift_right_arithmetic3A_563, %broadcast_in_dim3A_1, %and3A_566] : memref<783x1x128xf32, #tpu.memory_space<vmem>>[vector<16xi32>, vector<16xi32>, vector<16xi32>], vector<16xf32>,
        %swap3A_568 = arith.constant 0 : i32
        %swap3A_569 = arith.constant 0 : i32
        %swap3A_570 = arith.index_cast %swap3A_568 : i32 to index
        %swap3A_571 = arith.index_cast %scan3A_458 : i32 to index
        %swap3A_572 = arith.index_cast %swap3A_569 : i32 to index
        %swap3A_573 = arith.constant 64 : index
        %swap3A_574 = tpu.vector_load %arg7[%swap3A_570, %swap3A_571, %swap3A_572, %swap3A_573] {strides = array<i32>} : memref<2x32x1x128xf32, #tpu.memory_space<vmem>>, vector<16xf32>,
        tpu.vector_store %arg7[%swap3A_570, %swap3A_571, %swap3A_572, %swap3A_573], %gather3A_567 {strides = array<i32>} : memref<2x32x1x128xf32, #tpu.memory_space<vmem>>, vector<16xf32>,
        %mul3A_575 = arith.constant 128 : i32
        %mul3A_576 = arith.muli %scan3A_458, %mul3A_575 : i32
        %add3A_577 = arith.constant 0 : i32
        %add3A_578 = arith.addi %add3A_577, %mul3A_576 : i32
        %add3A_579 = arith.constant 80 : i32
        %add3A_580 = arith.addi %add3A_578, %add3A_579 : i32
        %get3A_581 = arith.index_cast %add3A_580 : i32 to index
        %get3A_582 = tpu.vector_load %arg6[%get3A_581] {strides = array<i32>} : memref<16384xi32, #tpu.memory_space<vmem>>, vector<16xi32>,
        %add3A_583 = vector.broadcast %sub3A_316 : i32 to vector<16xi32>
        %add3A_584 = arith.addi %get3A_582, %add3A_583 : vector<16xi32>
        %shift_right_arithmetic3A_585 = arith.constant 7 : i32
        %shift_right_arithmetic3A_586 = vector.broadcast %shift_right_arithmetic3A_585 : i32 to vector<16xi32>
        %shift_right_arithmetic3A_587 = arith.shrsi %add3A_584, %shift_right_arithmetic3A_586 : vector<16xi32>
        %and3A_588 = arith.constant 127 : i32
        %and3A_589 = vector.broadcast %and3A_588 : i32 to vector<16xi32>
        %and3A_590 = arith.andi %add3A_584, %and3A_589 : vector<16xi32>
        %gather3A_591 = tpu.vector_load_idx %arg5[%shift_right_arithmetic3A_587, %broadcast_in_dim3A_1, %and3A_590] : memref<783x1x128xf32, #tpu.memory_space<vmem>>[vector<16xi32>, vector<16xi32>, vector<16xi32>], vector<16xf32>,
        %swap3A_592 = arith.constant 0 : i32
        %swap3A_593 = arith.constant 0 : i32
        %swap3A_594 = arith.index_cast %swap3A_592 : i32 to index
        %swap3A_595 = arith.index_cast %scan3A_458 : i32 to index
        %swap3A_596 = arith.index_cast %swap3A_593 : i32 to index
        %swap3A_597 = arith.constant 80 : index
        %swap3A_598 = tpu.vector_load %arg7[%swap3A_594, %swap3A_595, %swap3A_596, %swap3A_597] {strides = array<i32>} : memref<2x32x1x128xf32, #tpu.memory_space<vmem>>, vector<16xf32>,
        tpu.vector_store %arg7[%swap3A_594, %swap3A_595, %swap3A_596, %swap3A_597], %gather3A_591 {strides = array<i32>} : memref<2x32x1x128xf32, #tpu.memory_space<vmem>>, vector<16xf32>,
        %mul3A_599 = arith.constant 128 : i32
        %mul3A_600 = arith.muli %scan3A_458, %mul3A_599 : i32
        %add3A_601 = arith.constant 0 : i32
        %add3A_602 = arith.addi %add3A_601, %mul3A_600 : i32
        %add3A_603 = arith.constant 96 : i32
        %add3A_604 = arith.addi %add3A_602, %add3A_603 : i32
        %get3A_605 = arith.index_cast %add3A_604 : i32 to index
        %get3A_606 = tpu.vector_load %arg6[%get3A_605] {strides = array<i32>} : memref<16384xi32, #tpu.memory_space<vmem>>, vector<16xi32>,
        %add3A_607 = vector.broadcast %sub3A_316 : i32 to vector<16xi32>
        %add3A_608 = arith.addi %get3A_606, %add3A_607 : vector<16xi32>
        %shift_right_arithmetic3A_609 = arith.constant 7 : i32
        %shift_right_arithmetic3A_610 = vector.broadcast %shift_right_arithmetic3A_609 : i32 to vector<16xi32>
        %shift_right_arithmetic3A_611 = arith.shrsi %add3A_608, %shift_right_arithmetic3A_610 : vector<16xi32>
        %and3A_612 = arith.constant 127 : i32
        %and3A_613 = vector.broadcast %and3A_612 : i32 to vector<16xi32>
        %and3A_614 = arith.andi %add3A_608, %and3A_613 : vector<16xi32>
        %gather3A_615 = tpu.vector_load_idx %arg5[%shift_right_arithmetic3A_611, %broadcast_in_dim3A_1, %and3A_614] : memref<783x1x128xf32, #tpu.memory_space<vmem>>[vector<16xi32>, vector<16xi32>, vector<16xi32>], vector<16xf32>,
        %swap3A_616 = arith.constant 0 : i32
        %swap3A_617 = arith.constant 0 : i32
        %swap3A_618 = arith.index_cast %swap3A_616 : i32 to index
        %swap3A_619 = arith.index_cast %scan3A_458 : i32 to index
        %swap3A_620 = arith.index_cast %swap3A_617 : i32 to index
        %swap3A_621 = arith.constant 96 : index
        %swap3A_622 = tpu.vector_load %arg7[%swap3A_618, %swap3A_619, %swap3A_620, %swap3A_621] {strides = array<i32>} : memref<2x32x1x128xf32, #tpu.memory_space<vmem>>, vector<16xf32>,
        tpu.vector_store %arg7[%swap3A_618, %swap3A_619, %swap3A_620, %swap3A_621], %gather3A_615 {strides = array<i32>} : memref<2x32x1x128xf32, #tpu.memory_space<vmem>>, vector<16xf32>,
        %mul3A_623 = arith.constant 128 : i32
        %mul3A_624 = arith.muli %scan3A_458, %mul3A_623 : i32
        %add3A_625 = arith.constant 0 : i32
        %add3A_626 = arith.addi %add3A_625, %mul3A_624 : i32
        %add3A_627 = arith.constant 112 : i32
        %add3A_628 = arith.addi %add3A_626, %add3A_627 : i32
        %get3A_629 = arith.index_cast %add3A_628 : i32 to index
        %get3A_630 = tpu.vector_load %arg6[%get3A_629] {strides = array<i32>} : memref<16384xi32, #tpu.memory_space<vmem>>, vector<16xi32>,
        %add3A_631 = vector.broadcast %sub3A_316 : i32 to vector<16xi32>
        %add3A_632 = arith.addi %get3A_630, %add3A_631 : vector<16xi32>
        %shift_right_arithmetic3A_633 = arith.constant 7 : i32
        %shift_right_arithmetic3A_634 = vector.broadcast %shift_right_arithmetic3A_633 : i32 to vector<16xi32>
        %shift_right_arithmetic3A_635 = arith.shrsi %add3A_632, %shift_right_arithmetic3A_634 : vector<16xi32>
        %and3A_636 = arith.constant 127 : i32
        %and3A_637 = vector.broadcast %and3A_636 : i32 to vector<16xi32>
        %and3A_638 = arith.andi %add3A_632, %and3A_637 : vector<16xi32>
        %gather3A_639 = tpu.vector_load_idx %arg5[%shift_right_arithmetic3A_635, %broadcast_in_dim3A_1, %and3A_638] : memref<783x1x128xf32, #tpu.memory_space<vmem>>[vector<16xi32>, vector<16xi32>, vector<16xi32>], vector<16xf32>,
        %swap3A_640 = arith.constant 0 : i32
        %swap3A_641 = arith.constant 0 : i32
        %swap3A_642 = arith.index_cast %swap3A_640 : i32 to index
        %swap3A_643 = arith.index_cast %scan3A_458 : i32 to index
        %swap3A_644 = arith.index_cast %swap3A_641 : i32 to index
        %swap3A_645 = arith.constant 112 : index
        %swap3A_646 = tpu.vector_load %arg7[%swap3A_642, %swap3A_643, %swap3A_644, %swap3A_645] {strides = array<i32>} : memref<2x32x1x128xf32, #tpu.memory_space<vmem>>, vector<16xf32>,
        tpu.vector_store %arg7[%swap3A_642, %swap3A_643, %swap3A_644, %swap3A_645], %gather3A_639 {strides = array<i32>} : memref<2x32x1x128xf32, #tpu.memory_space<vmem>>, vector<16xf32>,
      }
      %scan3A_336 = arith.constant 32 : i32
      %dma_start3A_337 = arith.constant 0 : i32
      %dma_start3A_338 = arith.constant 0 : i32
      %dma_start3A_339 = arith.constant 0 : i32
      %dma_start3A_340 = arith.constant 0 : i32
      %dma_start3A_341 = tpu.memref_slice %arg7[%dma_start3A_337, %dma_start3A_338, %dma_start3A_339, %dma_start3A_340] : memref<2x32x1x128xf32, #tpu.memory_space<vmem>> -> memref<1x32x1x128xf32, #tpu.memory_space<vmem>>
      %dma_start3A_342 = tpu.memref_squeeze %dma_start3A_341 : memref<1x32x1x128xf32, #tpu.memory_space<vmem>> -> memref<32x1x128xf32, #tpu.memory_space<vmem>>
      %dma_start3A_343 = arith.constant 0 : i32
      %dma_start3A_344 = arith.constant 0 : i32
      %dma_start3A_345 = tpu.memref_slice %arg4[%select_n3A_257, %select_n3A_283, %dma_start3A_343, %rem3A_285, %dma_start3A_344] : memref<26x4x128x8x128xf32, #tpu.memory_space<hbm>> -> memref<1x1x32x1x128xf32, #tpu.memory_space<hbm>>
      %dma_start3A_346 = tpu.memref_squeeze %dma_start3A_345 : memref<1x1x32x1x128xf32, #tpu.memory_space<hbm>> -> memref<32x1x128xf32, #tpu.memory_space<hbm>>
      %dma_start3A_347 = arith.constant 0 : i32
      %dma_start3A_348 = arith.constant 0 : i32
      %dma_start3A_349 = tpu.memref_slice %arg4[%select_n3A_257, %select_n3A_283, %dma_start3A_347, %rem3A_285, %dma_start3A_348] : memref<26x4x128x8x128xf32, #tpu.memory_space<hbm>> -> memref<1x1x32x1x128xf32, #tpu.memory_space<hbm>>
      %dma_start3A_350 = tpu.memref_squeeze %dma_start3A_349 : memref<1x1x32x1x128xf32, #tpu.memory_space<hbm>> -> memref<32x1x128xf32, #tpu.memory_space<hbm>>
      %dma_start3A_351 = arith.constant 0 : i32
      %dma_start3A_352 = arith.constant 0 : i32
      %dma_start3A_353 = arith.constant 0 : i32
      %dma_start3A_354 = tpu.memref_slice %arg7[%dma_start3A_337, %dma_start3A_351, %dma_start3A_352, %dma_start3A_353] : memref<2x32x1x128xf32, #tpu.memory_space<vmem>> -> memref<1x32x1x128xf32, #tpu.memory_space<vmem>>
      %dma_start3A_355 = tpu.memref_squeeze %dma_start3A_354 : memref<1x32x1x128xf32, #tpu.memory_space<vmem>> -> memref<32x1x128xf32, #tpu.memory_space<vmem>>
      tpu.enqueue_dma source(%dma_start3A_355 : memref<32x1x128xf32, #tpu.memory_space<vmem>>) target(%dma_start3A_350 : memref<32x1x128xf32, #tpu.memory_space<hbm>>) target_semaphore(%arg10 : memref<!tpu.dma_semaphore, #tpu.memory_space<semaphore_mem>>)
      %gt3A_356 = arith.constant 0 : i32
      %gt3A_357 = arith.cmpi sgt, %scan3A_230, %gt3A_356 : i32
      %or3A_358 = arith.constant false
      %or3A_359 = arith.ori %gt3A_357, %or3A_358 : i1
      %convert_element_type3A_360 = arith.extui %or3A_359 : i1 to i32
      %cond3A_361 = arith.constant 0 : i32
      %cond3A_362 = arith.cmpi ne, %convert_element_type3A_360, %cond3A_361 : i32
      scf.if %cond3A_362 {
        %dma_wait3A_458 = arith.constant 1 : i32
        %dma_wait3A_459 = arith.constant 0 : i32
        %dma_wait3A_460 = arith.constant 0 : i32
        %dma_wait3A_461 = arith.constant 0 : i32
        %dma_wait3A_462 = arith.constant 0 : i32
        %dma_wait3A_463 = arith.constant 0 : i32
        %dma_wait3A_464 = tpu.memref_slice %arg7[%dma_wait3A_458, %dma_wait3A_461, %dma_wait3A_462, %dma_wait3A_463] : memref<2x32x1x128xf32, #tpu.memory_space<vmem>> -> memref<1x32x1x128xf32, #tpu.memory_space<vmem>>
        %dma_wait3A_465 = tpu.memref_squeeze %dma_wait3A_464 : memref<1x32x1x128xf32, #tpu.memory_space<vmem>> -> memref<32x1x128xf32, #tpu.memory_space<vmem>>
        %dma_wait3A_466 = arith.constant 0 : i32
        %dma_wait3A_467 = arith.constant 0 : i32
        %dma_wait3A_468 = arith.constant 0 : i32
        %dma_wait3A_469 = tpu.memref_slice %arg4[%dma_wait3A_459, %dma_wait3A_460, %dma_wait3A_466, %dma_wait3A_467, %dma_wait3A_468] : memref<26x4x128x8x128xf32, #tpu.memory_space<hbm>> -> memref<1x1x32x1x128xf32, #tpu.memory_space<hbm>>
        %dma_wait3A_470 = tpu.memref_squeeze %dma_wait3A_469 : memref<1x1x32x1x128xf32, #tpu.memory_space<hbm>> -> memref<32x1x128xf32, #tpu.memory_space<hbm>>
        %dma_wait3A_471 = arith.constant 0 : i32
        %dma_wait3A_472 = arith.constant 0 : i32
        %dma_wait3A_473 = arith.constant 0 : i32
        %dma_wait3A_474 = tpu.memref_slice %arg4[%dma_wait3A_459, %dma_wait3A_460, %dma_wait3A_471, %dma_wait3A_472, %dma_wait3A_473] : memref<26x4x128x8x128xf32, #tpu.memory_space<hbm>> -> memref<1x1x32x1x128xf32, #tpu.memory_space<hbm>>
        %dma_wait3A_475 = tpu.memref_squeeze %dma_wait3A_474 : memref<1x1x32x1x128xf32, #tpu.memory_space<hbm>> -> memref<32x1x128xf32, #tpu.memory_space<hbm>>
        %dma_wait3A_476 = arith.constant 0 : i32
        %dma_wait3A_477 = arith.constant 0 : i32
        %dma_wait3A_478 = arith.constant 0 : i32
        %dma_wait3A_479 = tpu.memref_slice %arg7[%dma_wait3A_458, %dma_wait3A_476, %dma_wait3A_477, %dma_wait3A_478] : memref<2x32x1x128xf32, #tpu.memory_space<vmem>> -> memref<1x32x1x128xf32, #tpu.memory_space<vmem>>
        %dma_wait3A_480 = tpu.memref_squeeze %dma_wait3A_479 : memref<1x32x1x128xf32, #tpu.memory_space<vmem>> -> memref<32x1x128xf32, #tpu.memory_space<vmem>>
        tpu.wait_dma2 semaphore(%arg10 : memref<!tpu.dma_semaphore, #tpu.memory_space<semaphore_mem>>) src(%dma_wait3A_480 : memref<32x1x128xf32, #tpu.memory_space<vmem>>) dst(%dma_wait3A_475 : memref<32x1x128xf32, #tpu.memory_space<hbm>>)
      } else {
      }
      %scan3A_363 = arith.constant 0 : i32
      %scan3A_364 = arith.constant 0 : i32
      %scan3A_365 = arith.constant 32 : i32
      %scan3A_366 = arith.addi %scan3A_364, %scan3A_365 : i32
      %scan3A_367 = arith.constant 1 : i32
      scf.for %scan3A_458 = %scan3A_364 to %scan3A_366 step %scan3A_367  : i32 {
        %mul3A_459 = arith.constant 128 : i32
        %mul3A_460 = arith.muli %scan3A_458, %mul3A_459 : i32
        %add3A_461 = arith.constant 4096 : i32
        %add3A_462 = arith.addi %add3A_461, %mul3A_460 : i32
        %add3A_463 = arith.constant 0 : i32
        %add3A_464 = arith.addi %add3A_462, %add3A_463 : i32
        %get3A = arith.index_cast %add3A_464 : i32 to index
        %get3A_465 = tpu.vector_load %arg6[%get3A] {strides = array<i32>} : memref<16384xi32, #tpu.memory_space<vmem>>, vector<16xi32>,
        %add3A_466 = vector.broadcast %sub3A_316 : i32 to vector<16xi32>
        %add3A_467 = arith.addi %get3A_465, %add3A_466 : vector<16xi32>
        %shift_right_arithmetic3A = arith.constant 7 : i32
        %shift_right_arithmetic3A_468 = vector.broadcast %shift_right_arithmetic3A : i32 to vector<16xi32>
        %shift_right_arithmetic3A_469 = arith.shrsi %add3A_467, %shift_right_arithmetic3A_468 : vector<16xi32>
        %and3A_470 = arith.constant 127 : i32
        %and3A_471 = vector.broadcast %and3A_470 : i32 to vector<16xi32>
        %and3A_472 = arith.andi %add3A_467, %and3A_471 : vector<16xi32>
        %gather3A = tpu.vector_load_idx %arg5[%shift_right_arithmetic3A_469, %broadcast_in_dim3A_1, %and3A_472] : memref<783x1x128xf32, #tpu.memory_space<vmem>>[vector<16xi32>, vector<16xi32>, vector<16xi32>], vector<16xf32>,
        %swap3A = arith.constant 1 : i32
        %swap3A_473 = arith.constant 0 : i32
        %swap3A_474 = arith.index_cast %swap3A : i32 to index
        %swap3A_475 = arith.index_cast %scan3A_458 : i32 to index
        %swap3A_476 = arith.index_cast %swap3A_473 : i32 to index
        %swap3A_477 = arith.constant 0 : index
        %swap3A_478 = tpu.vector_load %arg7[%swap3A_474, %swap3A_475, %swap3A_476, %swap3A_477] {strides = array<i32>} : memref<2x32x1x128xf32, #tpu.memory_space<vmem>>, vector<16xf32>,
        tpu.vector_store %arg7[%swap3A_474, %swap3A_475, %swap3A_476, %swap3A_477], %gather3A {strides = array<i32>} : memref<2x32x1x128xf32, #tpu.memory_space<vmem>>, vector<16xf32>,
        %mul3A_479 = arith.constant 128 : i32
        %mul3A_480 = arith.muli %scan3A_458, %mul3A_479 : i32
        %add3A_481 = arith.constant 4096 : i32
        %add3A_482 = arith.addi %add3A_481, %mul3A_480 : i32
        %add3A_483 = arith.constant 16 : i32
        %add3A_484 = arith.addi %add3A_482, %add3A_483 : i32
        %get3A_485 = arith.index_cast %add3A_484 : i32 to index
        %get3A_486 = tpu.vector_load %arg6[%get3A_485] {strides = array<i32>} : memref<16384xi32, #tpu.memory_space<vmem>>, vector<16xi32>,
        %add3A_487 = vector.broadcast %sub3A_316 : i32 to vector<16xi32>
        %add3A_488 = arith.addi %get3A_486, %add3A_487 : vector<16xi32>
        %shift_right_arithmetic3A_489 = arith.constant 7 : i32
        %shift_right_arithmetic3A_490 = vector.broadcast %shift_right_arithmetic3A_489 : i32 to vector<16xi32>
        %shift_right_arithmetic3A_491 = arith.shrsi %add3A_488, %shift_right_arithmetic3A_490 : vector<16xi32>
        %and3A_492 = arith.constant 127 : i32
        %and3A_493 = vector.broadcast %and3A_492 : i32 to vector<16xi32>
        %and3A_494 = arith.andi %add3A_488, %and3A_493 : vector<16xi32>
        %gather3A_495 = tpu.vector_load_idx %arg5[%shift_right_arithmetic3A_491, %broadcast_in_dim3A_1, %and3A_494] : memref<783x1x128xf32, #tpu.memory_space<vmem>>[vector<16xi32>, vector<16xi32>, vector<16xi32>], vector<16xf32>,
        %swap3A_496 = arith.constant 1 : i32
        %swap3A_497 = arith.constant 0 : i32
        %swap3A_498 = arith.index_cast %swap3A_496 : i32 to index
        %swap3A_499 = arith.index_cast %scan3A_458 : i32 to index
        %swap3A_500 = arith.index_cast %swap3A_497 : i32 to index
        %swap3A_501 = arith.constant 16 : index
        %swap3A_502 = tpu.vector_load %arg7[%swap3A_498, %swap3A_499, %swap3A_500, %swap3A_501] {strides = array<i32>} : memref<2x32x1x128xf32, #tpu.memory_space<vmem>>, vector<16xf32>,
        tpu.vector_store %arg7[%swap3A_498, %swap3A_499, %swap3A_500, %swap3A_501], %gather3A_495 {strides = array<i32>} : memref<2x32x1x128xf32, #tpu.memory_space<vmem>>, vector<16xf32>,
        %mul3A_503 = arith.constant 128 : i32
        %mul3A_504 = arith.muli %scan3A_458, %mul3A_503 : i32
        %add3A_505 = arith.constant 4096 : i32
        %add3A_506 = arith.addi %add3A_505, %mul3A_504 : i32
        %add3A_507 = arith.constant 32 : i32
        %add3A_508 = arith.addi %add3A_506, %add3A_507 : i32
        %get3A_509 = arith.index_cast %add3A_508 : i32 to index
        %get3A_510 = tpu.vector_load %arg6[%get3A_509] {strides = array<i32>} : memref<16384xi32, #tpu.memory_space<vmem>>, vector<16xi32>,
        %add3A_511 = vector.broadcast %sub3A_316 : i32 to vector<16xi32>
        %add3A_512 = arith.addi %get3A_510, %add3A_511 : vector<16xi32>
        %shift_right_arithmetic3A_513 = arith.constant 7 : i32
        %shift_right_arithmetic3A_514 = vector.broadcast %shift_right_arithmetic3A_513 : i32 to vector<16xi32>
        %shift_right_arithmetic3A_515 = arith.shrsi %add3A_512, %shift_right_arithmetic3A_514 : vector<16xi32>
        %and3A_516 = arith.constant 127 : i32
        %and3A_517 = vector.broadcast %and3A_516 : i32 to vector<16xi32>
        %and3A_518 = arith.andi %add3A_512, %and3A_517 : vector<16xi32>
        %gather3A_519 = tpu.vector_load_idx %arg5[%shift_right_arithmetic3A_515, %broadcast_in_dim3A_1, %and3A_518] : memref<783x1x128xf32, #tpu.memory_space<vmem>>[vector<16xi32>, vector<16xi32>, vector<16xi32>], vector<16xf32>,
        %swap3A_520 = arith.constant 1 : i32
        %swap3A_521 = arith.constant 0 : i32
        %swap3A_522 = arith.index_cast %swap3A_520 : i32 to index
        %swap3A_523 = arith.index_cast %scan3A_458 : i32 to index
        %swap3A_524 = arith.index_cast %swap3A_521 : i32 to index
        %swap3A_525 = arith.constant 32 : index
        %swap3A_526 = tpu.vector_load %arg7[%swap3A_522, %swap3A_523, %swap3A_524, %swap3A_525] {strides = array<i32>} : memref<2x32x1x128xf32, #tpu.memory_space<vmem>>, vector<16xf32>,
        tpu.vector_store %arg7[%swap3A_522, %swap3A_523, %swap3A_524, %swap3A_525], %gather3A_519 {strides = array<i32>} : memref<2x32x1x128xf32, #tpu.memory_space<vmem>>, vector<16xf32>,
        %mul3A_527 = arith.constant 128 : i32
        %mul3A_528 = arith.muli %scan3A_458, %mul3A_527 : i32
        %add3A_529 = arith.constant 4096 : i32
        %add3A_530 = arith.addi %add3A_529, %mul3A_528 : i32
        %add3A_531 = arith.constant 48 : i32
        %add3A_532 = arith.addi %add3A_530, %add3A_531 : i32
        %get3A_533 = arith.index_cast %add3A_532 : i32 to index
        %get3A_534 = tpu.vector_load %arg6[%get3A_533] {strides = array<i32>} : memref<16384xi32, #tpu.memory_space<vmem>>, vector<16xi32>,
        %add3A_535 = vector.broadcast %sub3A_316 : i32 to vector<16xi32>
        %add3A_536 = arith.addi %get3A_534, %add3A_535 : vector<16xi32>
        %shift_right_arithmetic3A_537 = arith.constant 7 : i32
        %shift_right_arithmetic3A_538 = vector.broadcast %shift_right_arithmetic3A_537 : i32 to vector<16xi32>
        %shift_right_arithmetic3A_539 = arith.shrsi %add3A_536, %shift_right_arithmetic3A_538 : vector<16xi32>
        %and3A_540 = arith.constant 127 : i32
        %and3A_541 = vector.broadcast %and3A_540 : i32 to vector<16xi32>
        %and3A_542 = arith.andi %add3A_536, %and3A_541 : vector<16xi32>
        %gather3A_543 = tpu.vector_load_idx %arg5[%shift_right_arithmetic3A_539, %broadcast_in_dim3A_1, %and3A_542] : memref<783x1x128xf32, #tpu.memory_space<vmem>>[vector<16xi32>, vector<16xi32>, vector<16xi32>], vector<16xf32>,
        %swap3A_544 = arith.constant 1 : i32
        %swap3A_545 = arith.constant 0 : i32
        %swap3A_546 = arith.index_cast %swap3A_544 : i32 to index
        %swap3A_547 = arith.index_cast %scan3A_458 : i32 to index
        %swap3A_548 = arith.index_cast %swap3A_545 : i32 to index
        %swap3A_549 = arith.constant 48 : index
        %swap3A_550 = tpu.vector_load %arg7[%swap3A_546, %swap3A_547, %swap3A_548, %swap3A_549] {strides = array<i32>} : memref<2x32x1x128xf32, #tpu.memory_space<vmem>>, vector<16xf32>,
        tpu.vector_store %arg7[%swap3A_546, %swap3A_547, %swap3A_548, %swap3A_549], %gather3A_543 {strides = array<i32>} : memref<2x32x1x128xf32, #tpu.memory_space<vmem>>, vector<16xf32>,
        %mul3A_551 = arith.constant 128 : i32
        %mul3A_552 = arith.muli %scan3A_458, %mul3A_551 : i32
        %add3A_553 = arith.constant 4096 : i32
        %add3A_554 = arith.addi %add3A_553, %mul3A_552 : i32
        %add3A_555 = arith.constant 64 : i32
        %add3A_556 = arith.addi %add3A_554, %add3A_555 : i32
        %get3A_557 = arith.index_cast %add3A_556 : i32 to index
        %get3A_558 = tpu.vector_load %arg6[%get3A_557] {strides = array<i32>} : memref<16384xi32, #tpu.memory_space<vmem>>, vector<16xi32>,
        %add3A_559 = vector.broadcast %sub3A_316 : i32 to vector<16xi32>
        %add3A_560 = arith.addi %get3A_558, %add3A_559 : vector<16xi32>
        %shift_right_arithmetic3A_561 = arith.constant 7 : i32
        %shift_right_arithmetic3A_562 = vector.broadcast %shift_right_arithmetic3A_561 : i32 to vector<16xi32>
        %shift_right_arithmetic3A_563 = arith.shrsi %add3A_560, %shift_right_arithmetic3A_562 : vector<16xi32>
        %and3A_564 = arith.constant 127 : i32
        %and3A_565 = vector.broadcast %and3A_564 : i32 to vector<16xi32>
        %and3A_566 = arith.andi %add3A_560, %and3A_565 : vector<16xi32>
        %gather3A_567 = tpu.vector_load_idx %arg5[%shift_right_arithmetic3A_563, %broadcast_in_dim3A_1, %and3A_566] : memref<783x1x128xf32, #tpu.memory_space<vmem>>[vector<16xi32>, vector<16xi32>, vector<16xi32>], vector<16xf32>,
        %swap3A_568 = arith.constant 1 : i32
        %swap3A_569 = arith.constant 0 : i32
        %swap3A_570 = arith.index_cast %swap3A_568 : i32 to index
        %swap3A_571 = arith.index_cast %scan3A_458 : i32 to index
        %swap3A_572 = arith.index_cast %swap3A_569 : i32 to index
        %swap3A_573 = arith.constant 64 : index
        %swap3A_574 = tpu.vector_load %arg7[%swap3A_570, %swap3A_571, %swap3A_572, %swap3A_573] {strides = array<i32>} : memref<2x32x1x128xf32, #tpu.memory_space<vmem>>, vector<16xf32>,
        tpu.vector_store %arg7[%swap3A_570, %swap3A_571, %swap3A_572, %swap3A_573], %gather3A_567 {strides = array<i32>} : memref<2x32x1x128xf32, #tpu.memory_space<vmem>>, vector<16xf32>,
        %mul3A_575 = arith.constant 128 : i32
        %mul3A_576 = arith.muli %scan3A_458, %mul3A_575 : i32
        %add3A_577 = arith.constant 4096 : i32
        %add3A_578 = arith.addi %add3A_577, %mul3A_576 : i32
        %add3A_579 = arith.constant 80 : i32
        %add3A_580 = arith.addi %add3A_578, %add3A_579 : i32
        %get3A_581 = arith.index_cast %add3A_580 : i32 to index
        %get3A_582 = tpu.vector_load %arg6[%get3A_581] {strides = array<i32>} : memref<16384xi32, #tpu.memory_space<vmem>>, vector<16xi32>,
        %add3A_583 = vector.broadcast %sub3A_316 : i32 to vector<16xi32>
        %add3A_584 = arith.addi %get3A_582, %add3A_583 : vector<16xi32>
        %shift_right_arithmetic3A_585 = arith.constant 7 : i32
        %shift_right_arithmetic3A_586 = vector.broadcast %shift_right_arithmetic3A_585 : i32 to vector<16xi32>
        %shift_right_arithmetic3A_587 = arith.shrsi %add3A_584, %shift_right_arithmetic3A_586 : vector<16xi32>
        %and3A_588 = arith.constant 127 : i32
        %and3A_589 = vector.broadcast %and3A_588 : i32 to vector<16xi32>
        %and3A_590 = arith.andi %add3A_584, %and3A_589 : vector<16xi32>
        %gather3A_591 = tpu.vector_load_idx %arg5[%shift_right_arithmetic3A_587, %broadcast_in_dim3A_1, %and3A_590] : memref<783x1x128xf32, #tpu.memory_space<vmem>>[vector<16xi32>, vector<16xi32>, vector<16xi32>], vector<16xf32>,
        %swap3A_592 = arith.constant 1 : i32
        %swap3A_593 = arith.constant 0 : i32
        %swap3A_594 = arith.index_cast %swap3A_592 : i32 to index
        %swap3A_595 = arith.index_cast %scan3A_458 : i32 to index
        %swap3A_596 = arith.index_cast %swap3A_593 : i32 to index
        %swap3A_597 = arith.constant 80 : index
        %swap3A_598 = tpu.vector_load %arg7[%swap3A_594, %swap3A_595, %swap3A_596, %swap3A_597] {strides = array<i32>} : memref<2x32x1x128xf32, #tpu.memory_space<vmem>>, vector<16xf32>,
        tpu.vector_store %arg7[%swap3A_594, %swap3A_595, %swap3A_596, %swap3A_597], %gather3A_591 {strides = array<i32>} : memref<2x32x1x128xf32, #tpu.memory_space<vmem>>, vector<16xf32>,
        %mul3A_599 = arith.constant 128 : i32
        %mul3A_600 = arith.muli %scan3A_458, %mul3A_599 : i32
        %add3A_601 = arith.constant 4096 : i32
        %add3A_602 = arith.addi %add3A_601, %mul3A_600 : i32
        %add3A_603 = arith.constant 96 : i32
        %add3A_604 = arith.addi %add3A_602, %add3A_603 : i32
        %get3A_605 = arith.index_cast %add3A_604 : i32 to index
        %get3A_606 = tpu.vector_load %arg6[%get3A_605] {strides = array<i32>} : memref<16384xi32, #tpu.memory_space<vmem>>, vector<16xi32>,
        %add3A_607 = vector.broadcast %sub3A_316 : i32 to vector<16xi32>
        %add3A_608 = arith.addi %get3A_606, %add3A_607 : vector<16xi32>
        %shift_right_arithmetic3A_609 = arith.constant 7 : i32
        %shift_right_arithmetic3A_610 = vector.broadcast %shift_right_arithmetic3A_609 : i32 to vector<16xi32>
        %shift_right_arithmetic3A_611 = arith.shrsi %add3A_608, %shift_right_arithmetic3A_610 : vector<16xi32>
        %and3A_612 = arith.constant 127 : i32
        %and3A_613 = vector.broadcast %and3A_612 : i32 to vector<16xi32>
        %and3A_614 = arith.andi %add3A_608, %and3A_613 : vector<16xi32>
        %gather3A_615 = tpu.vector_load_idx %arg5[%shift_right_arithmetic3A_611, %broadcast_in_dim3A_1, %and3A_614] : memref<783x1x128xf32, #tpu.memory_space<vmem>>[vector<16xi32>, vector<16xi32>, vector<16xi32>], vector<16xf32>,
        %swap3A_616 = arith.constant 1 : i32
        %swap3A_617 = arith.constant 0 : i32
        %swap3A_618 = arith.index_cast %swap3A_616 : i32 to index
        %swap3A_619 = arith.index_cast %scan3A_458 : i32 to index
        %swap3A_620 = arith.index_cast %swap3A_617 : i32 to index
        %swap3A_621 = arith.constant 96 : index
        %swap3A_622 = tpu.vector_load %arg7[%swap3A_618, %swap3A_619, %swap3A_620, %swap3A_621] {strides = array<i32>} : memref<2x32x1x128xf32, #tpu.memory_space<vmem>>, vector<16xf32>,
        tpu.vector_store %arg7[%swap3A_618, %swap3A_619, %swap3A_620, %swap3A_621], %gather3A_615 {strides = array<i32>} : memref<2x32x1x128xf32, #tpu.memory_space<vmem>>, vector<16xf32>,
        %mul3A_623 = arith.constant 128 : i32
        %mul3A_624 = arith.muli %scan3A_458, %mul3A_623 : i32
        %add3A_625 = arith.constant 4096 : i32
        %add3A_626 = arith.addi %add3A_625, %mul3A_624 : i32
        %add3A_627 = arith.constant 112 : i32
        %add3A_628 = arith.addi %add3A_626, %add3A_627 : i32
        %get3A_629 = arith.index_cast %add3A_628 : i32 to index
        %get3A_630 = tpu.vector_load %arg6[%get3A_629] {strides = array<i32>} : memref<16384xi32, #tpu.memory_space<vmem>>, vector<16xi32>,
        %add3A_631 = vector.broadcast %sub3A_316 : i32 to vector<16xi32>
        %add3A_632 = arith.addi %get3A_630, %add3A_631 : vector<16xi32>
        %shift_right_arithmetic3A_633 = arith.constant 7 : i32
        %shift_right_arithmetic3A_634 = vector.broadcast %shift_right_arithmetic3A_633 : i32 to vector<16xi32>
        %shift_right_arithmetic3A_635 = arith.shrsi %add3A_632, %shift_right_arithmetic3A_634 : vector<16xi32>
        %and3A_636 = arith.constant 127 : i32
        %and3A_637 = vector.broadcast %and3A_636 : i32 to vector<16xi32>
        %and3A_638 = arith.andi %add3A_632, %and3A_637 : vector<16xi32>
        %gather3A_639 = tpu.vector_load_idx %arg5[%shift_right_arithmetic3A_635, %broadcast_in_dim3A_1, %and3A_638] : memref<783x1x128xf32, #tpu.memory_space<vmem>>[vector<16xi32>, vector<16xi32>, vector<16xi32>], vector<16xf32>,
        %swap3A_640 = arith.constant 1 : i32
        %swap3A_641 = arith.constant 0 : i32
        %swap3A_642 = arith.index_cast %swap3A_640 : i32 to index
        %swap3A_643 = arith.index_cast %scan3A_458 : i32 to index
        %swap3A_644 = arith.index_cast %swap3A_641 : i32 to index
        %swap3A_645 = arith.constant 112 : index
        %swap3A_646 = tpu.vector_load %arg7[%swap3A_642, %swap3A_643, %swap3A_644, %swap3A_645] {strides = array<i32>} : memref<2x32x1x128xf32, #tpu.memory_space<vmem>>, vector<16xf32>,
        tpu.vector_store %arg7[%swap3A_642, %swap3A_643, %swap3A_644, %swap3A_645], %gather3A_639 {strides = array<i32>} : memref<2x32x1x128xf32, #tpu.memory_space<vmem>>, vector<16xf32>,
      }
      %scan3A_368 = arith.constant 32 : i32
      %dma_start3A_369 = arith.constant 1 : i32
      %dma_start3A_370 = arith.constant 0 : i32
      %dma_start3A_371 = arith.constant 0 : i32
      %dma_start3A_372 = arith.constant 0 : i32
      %dma_start3A_373 = tpu.memref_slice %arg7[%dma_start3A_369, %dma_start3A_370, %dma_start3A_371, %dma_start3A_372] : memref<2x32x1x128xf32, #tpu.memory_space<vmem>> -> memref<1x32x1x128xf32, #tpu.memory_space<vmem>>
      %dma_start3A_374 = tpu.memref_squeeze %dma_start3A_373 : memref<1x32x1x128xf32, #tpu.memory_space<vmem>> -> memref<32x1x128xf32, #tpu.memory_space<vmem>>
      %dma_start3A_375 = arith.constant 32 : i32
      %dma_start3A_376 = arith.constant 0 : i32
      %dma_start3A_377 = tpu.memref_slice %arg4[%select_n3A_257, %select_n3A_283, %dma_start3A_375, %rem3A_285, %dma_start3A_376] : memref<26x4x128x8x128xf32, #tpu.memory_space<hbm>> -> memref<1x1x32x1x128xf32, #tpu.memory_space<hbm>>
      %dma_start3A_378 = tpu.memref_squeeze %dma_start3A_377 : memref<1x1x32x1x128xf32, #tpu.memory_space<hbm>> -> memref<32x1x128xf32, #tpu.memory_space<hbm>>
      %dma_start3A_379 = arith.constant 32 : i32
      %dma_start3A_380 = arith.constant 0 : i32
      %dma_start3A_381 = tpu.memref_slice %arg4[%select_n3A_257, %select_n3A_283, %dma_start3A_379, %rem3A_285, %dma_start3A_380] : memref<26x4x128x8x128xf32, #tpu.memory_space<hbm>> -> memref<1x1x32x1x128xf32, #tpu.memory_space<hbm>>
      %dma_start3A_382 = tpu.memref_squeeze %dma_start3A_381 : memref<1x1x32x1x128xf32, #tpu.memory_space<hbm>> -> memref<32x1x128xf32, #tpu.memory_space<hbm>>
      %dma_start3A_383 = arith.constant 0 : i32
      %dma_start3A_384 = arith.constant 0 : i32
      %dma_start3A_385 = arith.constant 0 : i32
      %dma_start3A_386 = tpu.memref_slice %arg7[%dma_start3A_369, %dma_start3A_383, %dma_start3A_384, %dma_start3A_385] : memref<2x32x1x128xf32, #tpu.memory_space<vmem>> -> memref<1x32x1x128xf32, #tpu.memory_space<vmem>>
      %dma_start3A_387 = tpu.memref_squeeze %dma_start3A_386 : memref<1x32x1x128xf32, #tpu.memory_space<vmem>> -> memref<32x1x128xf32, #tpu.memory_space<vmem>>
      tpu.enqueue_dma source(%dma_start3A_387 : memref<32x1x128xf32, #tpu.memory_space<vmem>>) target(%dma_start3A_382 : memref<32x1x128xf32, #tpu.memory_space<hbm>>) target_semaphore(%arg10 : memref<!tpu.dma_semaphore, #tpu.memory_space<semaphore_mem>>)
      %gt3A_388 = arith.constant 0 : i32
      %gt3A_389 = arith.cmpi sgt, %scan3A_230, %gt3A_388 : i32
      %or3A_390 = arith.constant true
      %or3A_391 = arith.ori %gt3A_389, %or3A_390 : i1
      %convert_element_type3A_392 = arith.extui %or3A_391 : i1 to i32
      %cond3A_393 = arith.constant 0 : i32
      %cond3A_394 = arith.cmpi ne, %convert_element_type3A_392, %cond3A_393 : i32
      scf.if %cond3A_394 {
        %dma_wait3A_458 = arith.constant 0 : i32
        %dma_wait3A_459 = arith.constant 0 : i32
        %dma_wait3A_460 = arith.constant 0 : i32
        %dma_wait3A_461 = arith.constant 0 : i32
        %dma_wait3A_462 = arith.constant 0 : i32
        %dma_wait3A_463 = arith.constant 0 : i32
        %dma_wait3A_464 = tpu.memref_slice %arg7[%dma_wait3A_458, %dma_wait3A_461, %dma_wait3A_462, %dma_wait3A_463] : memref<2x32x1x128xf32, #tpu.memory_space<vmem>> -> memref<1x32x1x128xf32, #tpu.memory_space<vmem>>
        %dma_wait3A_465 = tpu.memref_squeeze %dma_wait3A_464 : memref<1x32x1x128xf32, #tpu.memory_space<vmem>> -> memref<32x1x128xf32, #tpu.memory_space<vmem>>
        %dma_wait3A_466 = arith.constant 0 : i32
        %dma_wait3A_467 = arith.constant 0 : i32
        %dma_wait3A_468 = arith.constant 0 : i32
        %dma_wait3A_469 = tpu.memref_slice %arg4[%dma_wait3A_459, %dma_wait3A_460, %dma_wait3A_466, %dma_wait3A_467, %dma_wait3A_468] : memref<26x4x128x8x128xf32, #tpu.memory_space<hbm>> -> memref<1x1x32x1x128xf32, #tpu.memory_space<hbm>>
        %dma_wait3A_470 = tpu.memref_squeeze %dma_wait3A_469 : memref<1x1x32x1x128xf32, #tpu.memory_space<hbm>> -> memref<32x1x128xf32, #tpu.memory_space<hbm>>
        %dma_wait3A_471 = arith.constant 0 : i32
        %dma_wait3A_472 = arith.constant 0 : i32
        %dma_wait3A_473 = arith.constant 0 : i32
        %dma_wait3A_474 = tpu.memref_slice %arg4[%dma_wait3A_459, %dma_wait3A_460, %dma_wait3A_471, %dma_wait3A_472, %dma_wait3A_473] : memref<26x4x128x8x128xf32, #tpu.memory_space<hbm>> -> memref<1x1x32x1x128xf32, #tpu.memory_space<hbm>>
        %dma_wait3A_475 = tpu.memref_squeeze %dma_wait3A_474 : memref<1x1x32x1x128xf32, #tpu.memory_space<hbm>> -> memref<32x1x128xf32, #tpu.memory_space<hbm>>
        %dma_wait3A_476 = arith.constant 0 : i32
        %dma_wait3A_477 = arith.constant 0 : i32
        %dma_wait3A_478 = arith.constant 0 : i32
        %dma_wait3A_479 = tpu.memref_slice %arg7[%dma_wait3A_458, %dma_wait3A_476, %dma_wait3A_477, %dma_wait3A_478] : memref<2x32x1x128xf32, #tpu.memory_space<vmem>> -> memref<1x32x1x128xf32, #tpu.memory_space<vmem>>
        %dma_wait3A_480 = tpu.memref_squeeze %dma_wait3A_479 : memref<1x32x1x128xf32, #tpu.memory_space<vmem>> -> memref<32x1x128xf32, #tpu.memory_space<vmem>>
        tpu.wait_dma2 semaphore(%arg10 : memref<!tpu.dma_semaphore, #tpu.memory_space<semaphore_mem>>) src(%dma_wait3A_480 : memref<32x1x128xf32, #tpu.memory_space<vmem>>) dst(%dma_wait3A_475 : memref<32x1x128xf32, #tpu.memory_space<hbm>>)
      } else {
      }
      %scan3A_395 = arith.constant 0 : i32
      %scan3A_396 = arith.constant 0 : i32
      %scan3A_397 = arith.constant 32 : i32
      %scan3A_398 = arith.addi %scan3A_396, %scan3A_397 : i32
      %scan3A_399 = arith.constant 1 : i32
      scf.for %scan3A_458 = %scan3A_396 to %scan3A_398 step %scan3A_399  : i32 {
        %mul3A_459 = arith.constant 128 : i32
        %mul3A_460 = arith.muli %scan3A_458, %mul3A_459 : i32
        %add3A_461 = arith.constant 8192 : i32
        %add3A_462 = arith.addi %add3A_461, %mul3A_460 : i32
        %add3A_463 = arith.constant 0 : i32
        %add3A_464 = arith.addi %add3A_462, %add3A_463 : i32
        %get3A = arith.index_cast %add3A_464 : i32 to index
        %get3A_465 = tpu.vector_load %arg6[%get3A] {strides = array<i32>} : memref<16384xi32, #tpu.memory_space<vmem>>, vector<16xi32>,
        %add3A_466 = vector.broadcast %sub3A_316 : i32 to vector<16xi32>
        %add3A_467 = arith.addi %get3A_465, %add3A_466 : vector<16xi32>
        %shift_right_arithmetic3A = arith.constant 7 : i32
        %shift_right_arithmetic3A_468 = vector.broadcast %shift_right_arithmetic3A : i32 to vector<16xi32>
        %shift_right_arithmetic3A_469 = arith.shrsi %add3A_467, %shift_right_arithmetic3A_468 : vector<16xi32>
        %and3A_470 = arith.constant 127 : i32
        %and3A_471 = vector.broadcast %and3A_470 : i32 to vector<16xi32>
        %and3A_472 = arith.andi %add3A_467, %and3A_471 : vector<16xi32>
        %gather3A = tpu.vector_load_idx %arg5[%shift_right_arithmetic3A_469, %broadcast_in_dim3A_1, %and3A_472] : memref<783x1x128xf32, #tpu.memory_space<vmem>>[vector<16xi32>, vector<16xi32>, vector<16xi32>], vector<16xf32>,
        %swap3A = arith.constant 0 : i32
        %swap3A_473 = arith.constant 0 : i32
        %swap3A_474 = arith.index_cast %swap3A : i32 to index
        %swap3A_475 = arith.index_cast %scan3A_458 : i32 to index
        %swap3A_476 = arith.index_cast %swap3A_473 : i32 to index
        %swap3A_477 = arith.constant 0 : index
        %swap3A_478 = tpu.vector_load %arg7[%swap3A_474, %swap3A_475, %swap3A_476, %swap3A_477] {strides = array<i32>} : memref<2x32x1x128xf32, #tpu.memory_space<vmem>>, vector<16xf32>,
        tpu.vector_store %arg7[%swap3A_474, %swap3A_475, %swap3A_476, %swap3A_477], %gather3A {strides = array<i32>} : memref<2x32x1x128xf32, #tpu.memory_space<vmem>>, vector<16xf32>,
        %mul3A_479 = arith.constant 128 : i32
        %mul3A_480 = arith.muli %scan3A_458, %mul3A_479 : i32
        %add3A_481 = arith.constant 8192 : i32
        %add3A_482 = arith.addi %add3A_481, %mul3A_480 : i32
        %add3A_483 = arith.constant 16 : i32
        %add3A_484 = arith.addi %add3A_482, %add3A_483 : i32
        %get3A_485 = arith.index_cast %add3A_484 : i32 to index
        %get3A_486 = tpu.vector_load %arg6[%get3A_485] {strides = array<i32>} : memref<16384xi32, #tpu.memory_space<vmem>>, vector<16xi32>,
        %add3A_487 = vector.broadcast %sub3A_316 : i32 to vector<16xi32>
        %add3A_488 = arith.addi %get3A_486, %add3A_487 : vector<16xi32>
        %shift_right_arithmetic3A_489 = arith.constant 7 : i32
        %shift_right_arithmetic3A_490 = vector.broadcast %shift_right_arithmetic3A_489 : i32 to vector<16xi32>
        %shift_right_arithmetic3A_491 = arith.shrsi %add3A_488, %shift_right_arithmetic3A_490 : vector<16xi32>
        %and3A_492 = arith.constant 127 : i32
        %and3A_493 = vector.broadcast %and3A_492 : i32 to vector<16xi32>
        %and3A_494 = arith.andi %add3A_488, %and3A_493 : vector<16xi32>
        %gather3A_495 = tpu.vector_load_idx %arg5[%shift_right_arithmetic3A_491, %broadcast_in_dim3A_1, %and3A_494] : memref<783x1x128xf32, #tpu.memory_space<vmem>>[vector<16xi32>, vector<16xi32>, vector<16xi32>], vector<16xf32>,
        %swap3A_496 = arith.constant 0 : i32
        %swap3A_497 = arith.constant 0 : i32
        %swap3A_498 = arith.index_cast %swap3A_496 : i32 to index
        %swap3A_499 = arith.index_cast %scan3A_458 : i32 to index
        %swap3A_500 = arith.index_cast %swap3A_497 : i32 to index
        %swap3A_501 = arith.constant 16 : index
        %swap3A_502 = tpu.vector_load %arg7[%swap3A_498, %swap3A_499, %swap3A_500, %swap3A_501] {strides = array<i32>} : memref<2x32x1x128xf32, #tpu.memory_space<vmem>>, vector<16xf32>,
        tpu.vector_store %arg7[%swap3A_498, %swap3A_499, %swap3A_500, %swap3A_501], %gather3A_495 {strides = array<i32>} : memref<2x32x1x128xf32, #tpu.memory_space<vmem>>, vector<16xf32>,
        %mul3A_503 = arith.constant 128 : i32
        %mul3A_504 = arith.muli %scan3A_458, %mul3A_503 : i32
        %add3A_505 = arith.constant 8192 : i32
        %add3A_506 = arith.addi %add3A_505, %mul3A_504 : i32
        %add3A_507 = arith.constant 32 : i32
        %add3A_508 = arith.addi %add3A_506, %add3A_507 : i32
        %get3A_509 = arith.index_cast %add3A_508 : i32 to index
        %get3A_510 = tpu.vector_load %arg6[%get3A_509] {strides = array<i32>} : memref<16384xi32, #tpu.memory_space<vmem>>, vector<16xi32>,
        %add3A_511 = vector.broadcast %sub3A_316 : i32 to vector<16xi32>
        %add3A_512 = arith.addi %get3A_510, %add3A_511 : vector<16xi32>
        %shift_right_arithmetic3A_513 = arith.constant 7 : i32
        %shift_right_arithmetic3A_514 = vector.broadcast %shift_right_arithmetic3A_513 : i32 to vector<16xi32>
        %shift_right_arithmetic3A_515 = arith.shrsi %add3A_512, %shift_right_arithmetic3A_514 : vector<16xi32>
        %and3A_516 = arith.constant 127 : i32
        %and3A_517 = vector.broadcast %and3A_516 : i32 to vector<16xi32>
        %and3A_518 = arith.andi %add3A_512, %and3A_517 : vector<16xi32>
        %gather3A_519 = tpu.vector_load_idx %arg5[%shift_right_arithmetic3A_515, %broadcast_in_dim3A_1, %and3A_518] : memref<783x1x128xf32, #tpu.memory_space<vmem>>[vector<16xi32>, vector<16xi32>, vector<16xi32>], vector<16xf32>,
        %swap3A_520 = arith.constant 0 : i32
        %swap3A_521 = arith.constant 0 : i32
        %swap3A_522 = arith.index_cast %swap3A_520 : i32 to index
        %swap3A_523 = arith.index_cast %scan3A_458 : i32 to index
        %swap3A_524 = arith.index_cast %swap3A_521 : i32 to index
        %swap3A_525 = arith.constant 32 : index
        %swap3A_526 = tpu.vector_load %arg7[%swap3A_522, %swap3A_523, %swap3A_524, %swap3A_525] {strides = array<i32>} : memref<2x32x1x128xf32, #tpu.memory_space<vmem>>, vector<16xf32>,
        tpu.vector_store %arg7[%swap3A_522, %swap3A_523, %swap3A_524, %swap3A_525], %gather3A_519 {strides = array<i32>} : memref<2x32x1x128xf32, #tpu.memory_space<vmem>>, vector<16xf32>,
        %mul3A_527 = arith.constant 128 : i32
        %mul3A_528 = arith.muli %scan3A_458, %mul3A_527 : i32
        %add3A_529 = arith.constant 8192 : i32
        %add3A_530 = arith.addi %add3A_529, %mul3A_528 : i32
        %add3A_531 = arith.constant 48 : i32
        %add3A_532 = arith.addi %add3A_530, %add3A_531 : i32
        %get3A_533 = arith.index_cast %add3A_532 : i32 to index
        %get3A_534 = tpu.vector_load %arg6[%get3A_533] {strides = array<i32>} : memref<16384xi32, #tpu.memory_space<vmem>>, vector<16xi32>,
        %add3A_535 = vector.broadcast %sub3A_316 : i32 to vector<16xi32>
        %add3A_536 = arith.addi %get3A_534, %add3A_535 : vector<16xi32>
        %shift_right_arithmetic3A_537 = arith.constant 7 : i32
        %shift_right_arithmetic3A_538 = vector.broadcast %shift_right_arithmetic3A_537 : i32 to vector<16xi32>
        %shift_right_arithmetic3A_539 = arith.shrsi %add3A_536, %shift_right_arithmetic3A_538 : vector<16xi32>
        %and3A_540 = arith.constant 127 : i32
        %and3A_541 = vector.broadcast %and3A_540 : i32 to vector<16xi32>
        %and3A_542 = arith.andi %add3A_536, %and3A_541 : vector<16xi32>
        %gather3A_543 = tpu.vector_load_idx %arg5[%shift_right_arithmetic3A_539, %broadcast_in_dim3A_1, %and3A_542] : memref<783x1x128xf32, #tpu.memory_space<vmem>>[vector<16xi32>, vector<16xi32>, vector<16xi32>], vector<16xf32>,
        %swap3A_544 = arith.constant 0 : i32
        %swap3A_545 = arith.constant 0 : i32
        %swap3A_546 = arith.index_cast %swap3A_544 : i32 to index
        %swap3A_547 = arith.index_cast %scan3A_458 : i32 to index
        %swap3A_548 = arith.index_cast %swap3A_545 : i32 to index
        %swap3A_549 = arith.constant 48 : index
        %swap3A_550 = tpu.vector_load %arg7[%swap3A_546, %swap3A_547, %swap3A_548, %swap3A_549] {strides = array<i32>} : memref<2x32x1x128xf32, #tpu.memory_space<vmem>>, vector<16xf32>,
        tpu.vector_store %arg7[%swap3A_546, %swap3A_547, %swap3A_548, %swap3A_549], %gather3A_543 {strides = array<i32>} : memref<2x32x1x128xf32, #tpu.memory_space<vmem>>, vector<16xf32>,
        %mul3A_551 = arith.constant 128 : i32
        %mul3A_552 = arith.muli %scan3A_458, %mul3A_551 : i32
        %add3A_553 = arith.constant 8192 : i32
        %add3A_554 = arith.addi %add3A_553, %mul3A_552 : i32
        %add3A_555 = arith.constant 64 : i32
        %add3A_556 = arith.addi %add3A_554, %add3A_555 : i32
        %get3A_557 = arith.index_cast %add3A_556 : i32 to index
        %get3A_558 = tpu.vector_load %arg6[%get3A_557] {strides = array<i32>} : memref<16384xi32, #tpu.memory_space<vmem>>, vector<16xi32>,
        %add3A_559 = vector.broadcast %sub3A_316 : i32 to vector<16xi32>
        %add3A_560 = arith.addi %get3A_558, %add3A_559 : vector<16xi32>
        %shift_right_arithmetic3A_561 = arith.constant 7 : i32
        %shift_right_arithmetic3A_562 = vector.broadcast %shift_right_arithmetic3A_561 : i32 to vector<16xi32>
        %shift_right_arithmetic3A_563 = arith.shrsi %add3A_560, %shift_right_arithmetic3A_562 : vector<16xi32>
        %and3A_564 = arith.constant 127 : i32
        %and3A_565 = vector.broadcast %and3A_564 : i32 to vector<16xi32>
        %and3A_566 = arith.andi %add3A_560, %and3A_565 : vector<16xi32>
        %gather3A_567 = tpu.vector_load_idx %arg5[%shift_right_arithmetic3A_563, %broadcast_in_dim3A_1, %and3A_566] : memref<783x1x128xf32, #tpu.memory_space<vmem>>[vector<16xi32>, vector<16xi32>, vector<16xi32>], vector<16xf32>,
        %swap3A_568 = arith.constant 0 : i32
        %swap3A_569 = arith.constant 0 : i32
        %swap3A_570 = arith.index_cast %swap3A_568 : i32 to index
        %swap3A_571 = arith.index_cast %scan3A_458 : i32 to index
        %swap3A_572 = arith.index_cast %swap3A_569 : i32 to index
        %swap3A_573 = arith.constant 64 : index
        %swap3A_574 = tpu.vector_load %arg7[%swap3A_570, %swap3A_571, %swap3A_572, %swap3A_573] {strides = array<i32>} : memref<2x32x1x128xf32, #tpu.memory_space<vmem>>, vector<16xf32>,
        tpu.vector_store %arg7[%swap3A_570, %swap3A_571, %swap3A_572, %swap3A_573], %gather3A_567 {strides = array<i32>} : memref<2x32x1x128xf32, #tpu.memory_space<vmem>>, vector<16xf32>,
        %mul3A_575 = arith.constant 128 : i32
        %mul3A_576 = arith.muli %scan3A_458, %mul3A_575 : i32
        %add3A_577 = arith.constant 8192 : i32
        %add3A_578 = arith.addi %add3A_577, %mul3A_576 : i32
        %add3A_579 = arith.constant 80 : i32
        %add3A_580 = arith.addi %add3A_578, %add3A_579 : i32
        %get3A_581 = arith.index_cast %add3A_580 : i32 to index
        %get3A_582 = tpu.vector_load %arg6[%get3A_581] {strides = array<i32>} : memref<16384xi32, #tpu.memory_space<vmem>>, vector<16xi32>,
        %add3A_583 = vector.broadcast %sub3A_316 : i32 to vector<16xi32>
        %add3A_584 = arith.addi %get3A_582, %add3A_583 : vector<16xi32>
        %shift_right_arithmetic3A_585 = arith.constant 7 : i32
        %shift_right_arithmetic3A_586 = vector.broadcast %shift_right_arithmetic3A_585 : i32 to vector<16xi32>
        %shift_right_arithmetic3A_587 = arith.shrsi %add3A_584, %shift_right_arithmetic3A_586 : vector<16xi32>
        %and3A_588 = arith.constant 127 : i32
        %and3A_589 = vector.broadcast %and3A_588 : i32 to vector<16xi32>
        %and3A_590 = arith.andi %add3A_584, %and3A_589 : vector<16xi32>
        %gather3A_591 = tpu.vector_load_idx %arg5[%shift_right_arithmetic3A_587, %broadcast_in_dim3A_1, %and3A_590] : memref<783x1x128xf32, #tpu.memory_space<vmem>>[vector<16xi32>, vector<16xi32>, vector<16xi32>], vector<16xf32>,
        %swap3A_592 = arith.constant 0 : i32
        %swap3A_593 = arith.constant 0 : i32
        %swap3A_594 = arith.index_cast %swap3A_592 : i32 to index
        %swap3A_595 = arith.index_cast %scan3A_458 : i32 to index
        %swap3A_596 = arith.index_cast %swap3A_593 : i32 to index
        %swap3A_597 = arith.constant 80 : index
        %swap3A_598 = tpu.vector_load %arg7[%swap3A_594, %swap3A_595, %swap3A_596, %swap3A_597] {strides = array<i32>} : memref<2x32x1x128xf32, #tpu.memory_space<vmem>>, vector<16xf32>,
        tpu.vector_store %arg7[%swap3A_594, %swap3A_595, %swap3A_596, %swap3A_597], %gather3A_591 {strides = array<i32>} : memref<2x32x1x128xf32, #tpu.memory_space<vmem>>, vector<16xf32>,
        %mul3A_599 = arith.constant 128 : i32
        %mul3A_600 = arith.muli %scan3A_458, %mul3A_599 : i32
        %add3A_601 = arith.constant 8192 : i32
        %add3A_602 = arith.addi %add3A_601, %mul3A_600 : i32
        %add3A_603 = arith.constant 96 : i32
        %add3A_604 = arith.addi %add3A_602, %add3A_603 : i32
        %get3A_605 = arith.index_cast %add3A_604 : i32 to index
        %get3A_606 = tpu.vector_load %arg6[%get3A_605] {strides = array<i32>} : memref<16384xi32, #tpu.memory_space<vmem>>, vector<16xi32>,
        %add3A_607 = vector.broadcast %sub3A_316 : i32 to vector<16xi32>
        %add3A_608 = arith.addi %get3A_606, %add3A_607 : vector<16xi32>
        %shift_right_arithmetic3A_609 = arith.constant 7 : i32
        %shift_right_arithmetic3A_610 = vector.broadcast %shift_right_arithmetic3A_609 : i32 to vector<16xi32>
        %shift_right_arithmetic3A_611 = arith.shrsi %add3A_608, %shift_right_arithmetic3A_610 : vector<16xi32>
        %and3A_612 = arith.constant 127 : i32
        %and3A_613 = vector.broadcast %and3A_612 : i32 to vector<16xi32>
        %and3A_614 = arith.andi %add3A_608, %and3A_613 : vector<16xi32>
        %gather3A_615 = tpu.vector_load_idx %arg5[%shift_right_arithmetic3A_611, %broadcast_in_dim3A_1, %and3A_614] : memref<783x1x128xf32, #tpu.memory_space<vmem>>[vector<16xi32>, vector<16xi32>, vector<16xi32>], vector<16xf32>,
        %swap3A_616 = arith.constant 0 : i32
        %swap3A_617 = arith.constant 0 : i32
        %swap3A_618 = arith.index_cast %swap3A_616 : i32 to index
        %swap3A_619 = arith.index_cast %scan3A_458 : i32 to index
        %swap3A_620 = arith.index_cast %swap3A_617 : i32 to index
        %swap3A_621 = arith.constant 96 : index
        %swap3A_622 = tpu.vector_load %arg7[%swap3A_618, %swap3A_619, %swap3A_620, %swap3A_621] {strides = array<i32>} : memref<2x32x1x128xf32, #tpu.memory_space<vmem>>, vector<16xf32>,
        tpu.vector_store %arg7[%swap3A_618, %swap3A_619, %swap3A_620, %swap3A_621], %gather3A_615 {strides = array<i32>} : memref<2x32x1x128xf32, #tpu.memory_space<vmem>>, vector<16xf32>,
        %mul3A_623 = arith.constant 128 : i32
        %mul3A_624 = arith.muli %scan3A_458, %mul3A_623 : i32
        %add3A_625 = arith.constant 8192 : i32
        %add3A_626 = arith.addi %add3A_625, %mul3A_624 : i32
        %add3A_627 = arith.constant 112 : i32
        %add3A_628 = arith.addi %add3A_626, %add3A_627 : i32
        %get3A_629 = arith.index_cast %add3A_628 : i32 to index
        %get3A_630 = tpu.vector_load %arg6[%get3A_629] {strides = array<i32>} : memref<16384xi32, #tpu.memory_space<vmem>>, vector<16xi32>,
        %add3A_631 = vector.broadcast %sub3A_316 : i32 to vector<16xi32>
        %add3A_632 = arith.addi %get3A_630, %add3A_631 : vector<16xi32>
        %shift_right_arithmetic3A_633 = arith.constant 7 : i32
        %shift_right_arithmetic3A_634 = vector.broadcast %shift_right_arithmetic3A_633 : i32 to vector<16xi32>
        %shift_right_arithmetic3A_635 = arith.shrsi %add3A_632, %shift_right_arithmetic3A_634 : vector<16xi32>
        %and3A_636 = arith.constant 127 : i32
        %and3A_637 = vector.broadcast %and3A_636 : i32 to vector<16xi32>
        %and3A_638 = arith.andi %add3A_632, %and3A_637 : vector<16xi32>
        %gather3A_639 = tpu.vector_load_idx %arg5[%shift_right_arithmetic3A_635, %broadcast_in_dim3A_1, %and3A_638] : memref<783x1x128xf32, #tpu.memory_space<vmem>>[vector<16xi32>, vector<16xi32>, vector<16xi32>], vector<16xf32>,
        %swap3A_640 = arith.constant 0 : i32
        %swap3A_641 = arith.constant 0 : i32
        %swap3A_642 = arith.index_cast %swap3A_640 : i32 to index
        %swap3A_643 = arith.index_cast %scan3A_458 : i32 to index
        %swap3A_644 = arith.index_cast %swap3A_641 : i32 to index
        %swap3A_645 = arith.constant 112 : index
        %swap3A_646 = tpu.vector_load %arg7[%swap3A_642, %swap3A_643, %swap3A_644, %swap3A_645] {strides = array<i32>} : memref<2x32x1x128xf32, #tpu.memory_space<vmem>>, vector<16xf32>,
        tpu.vector_store %arg7[%swap3A_642, %swap3A_643, %swap3A_644, %swap3A_645], %gather3A_639 {strides = array<i32>} : memref<2x32x1x128xf32, #tpu.memory_space<vmem>>, vector<16xf32>,
      }
      %scan3A_400 = arith.constant 32 : i32
      %dma_start3A_401 = arith.constant 0 : i32
      %dma_start3A_402 = arith.constant 0 : i32
      %dma_start3A_403 = arith.constant 0 : i32
      %dma_start3A_404 = arith.constant 0 : i32
      %dma_start3A_405 = tpu.memref_slice %arg7[%dma_start3A_401, %dma_start3A_402, %dma_start3A_403, %dma_start3A_404] : memref<2x32x1x128xf32, #tpu.memory_space<vmem>> -> memref<1x32x1x128xf32, #tpu.memory_space<vmem>>
      %dma_start3A_406 = tpu.memref_squeeze %dma_start3A_405 : memref<1x32x1x128xf32, #tpu.memory_space<vmem>> -> memref<32x1x128xf32, #tpu.memory_space<vmem>>
      %dma_start3A_407 = arith.constant 64 : i32
      %dma_start3A_408 = arith.constant 0 : i32
      %dma_start3A_409 = tpu.memref_slice %arg4[%select_n3A_257, %select_n3A_283, %dma_start3A_407, %rem3A_285, %dma_start3A_408] : memref<26x4x128x8x128xf32, #tpu.memory_space<hbm>> -> memref<1x1x32x1x128xf32, #tpu.memory_space<hbm>>
      %dma_start3A_410 = tpu.memref_squeeze %dma_start3A_409 : memref<1x1x32x1x128xf32, #tpu.memory_space<hbm>> -> memref<32x1x128xf32, #tpu.memory_space<hbm>>
      %dma_start3A_411 = arith.constant 64 : i32
      %dma_start3A_412 = arith.constant 0 : i32
      %dma_start3A_413 = tpu.memref_slice %arg4[%select_n3A_257, %select_n3A_283, %dma_start3A_411, %rem3A_285, %dma_start3A_412] : memref<26x4x128x8x128xf32, #tpu.memory_space<hbm>> -> memref<1x1x32x1x128xf32, #tpu.memory_space<hbm>>
      %dma_start3A_414 = tpu.memref_squeeze %dma_start3A_413 : memref<1x1x32x1x128xf32, #tpu.memory_space<hbm>> -> memref<32x1x128xf32, #tpu.memory_space<hbm>>
      %dma_start3A_415 = arith.constant 0 : i32
      %dma_start3A_416 = arith.constant 0 : i32
      %dma_start3A_417 = arith.constant 0 : i32
      %dma_start3A_418 = tpu.memref_slice %arg7[%dma_start3A_401, %dma_start3A_415, %dma_start3A_416, %dma_start3A_417] : memref<2x32x1x128xf32, #tpu.memory_space<vmem>> -> memref<1x32x1x128xf32, #tpu.memory_space<vmem>>
      %dma_start3A_419 = tpu.memref_squeeze %dma_start3A_418 : memref<1x32x1x128xf32, #tpu.memory_space<vmem>> -> memref<32x1x128xf32, #tpu.memory_space<vmem>>
      tpu.enqueue_dma source(%dma_start3A_419 : memref<32x1x128xf32, #tpu.memory_space<vmem>>) target(%dma_start3A_414 : memref<32x1x128xf32, #tpu.memory_space<hbm>>) target_semaphore(%arg10 : memref<!tpu.dma_semaphore, #tpu.memory_space<semaphore_mem>>)
      %gt3A_420 = arith.constant 0 : i32
      %gt3A_421 = arith.cmpi sgt, %scan3A_230, %gt3A_420 : i32
      %or3A_422 = arith.constant true
      %or3A_423 = arith.ori %gt3A_421, %or3A_422 : i1
      %convert_element_type3A_424 = arith.extui %or3A_423 : i1 to i32
      %cond3A_425 = arith.constant 0 : i32
      %cond3A_426 = arith.cmpi ne, %convert_element_type3A_424, %cond3A_425 : i32
      scf.if %cond3A_426 {
        %dma_wait3A_458 = arith.constant 1 : i32
        %dma_wait3A_459 = arith.constant 0 : i32
        %dma_wait3A_460 = arith.constant 0 : i32
        %dma_wait3A_461 = arith.constant 0 : i32
        %dma_wait3A_462 = arith.constant 0 : i32
        %dma_wait3A_463 = arith.constant 0 : i32
        %dma_wait3A_464 = tpu.memref_slice %arg7[%dma_wait3A_458, %dma_wait3A_461, %dma_wait3A_462, %dma_wait3A_463] : memref<2x32x1x128xf32, #tpu.memory_space<vmem>> -> memref<1x32x1x128xf32, #tpu.memory_space<vmem>>
        %dma_wait3A_465 = tpu.memref_squeeze %dma_wait3A_464 : memref<1x32x1x128xf32, #tpu.memory_space<vmem>> -> memref<32x1x128xf32, #tpu.memory_space<vmem>>
        %dma_wait3A_466 = arith.constant 0 : i32
        %dma_wait3A_467 = arith.constant 0 : i32
        %dma_wait3A_468 = arith.constant 0 : i32
        %dma_wait3A_469 = tpu.memref_slice %arg4[%dma_wait3A_459, %dma_wait3A_460, %dma_wait3A_466, %dma_wait3A_467, %dma_wait3A_468] : memref<26x4x128x8x128xf32, #tpu.memory_space<hbm>> -> memref<1x1x32x1x128xf32, #tpu.memory_space<hbm>>
        %dma_wait3A_470 = tpu.memref_squeeze %dma_wait3A_469 : memref<1x1x32x1x128xf32, #tpu.memory_space<hbm>> -> memref<32x1x128xf32, #tpu.memory_space<hbm>>
        %dma_wait3A_471 = arith.constant 0 : i32
        %dma_wait3A_472 = arith.constant 0 : i32
        %dma_wait3A_473 = arith.constant 0 : i32
        %dma_wait3A_474 = tpu.memref_slice %arg4[%dma_wait3A_459, %dma_wait3A_460, %dma_wait3A_471, %dma_wait3A_472, %dma_wait3A_473] : memref<26x4x128x8x128xf32, #tpu.memory_space<hbm>> -> memref<1x1x32x1x128xf32, #tpu.memory_space<hbm>>
        %dma_wait3A_475 = tpu.memref_squeeze %dma_wait3A_474 : memref<1x1x32x1x128xf32, #tpu.memory_space<hbm>> -> memref<32x1x128xf32, #tpu.memory_space<hbm>>
        %dma_wait3A_476 = arith.constant 0 : i32
        %dma_wait3A_477 = arith.constant 0 : i32
        %dma_wait3A_478 = arith.constant 0 : i32
        %dma_wait3A_479 = tpu.memref_slice %arg7[%dma_wait3A_458, %dma_wait3A_476, %dma_wait3A_477, %dma_wait3A_478] : memref<2x32x1x128xf32, #tpu.memory_space<vmem>> -> memref<1x32x1x128xf32, #tpu.memory_space<vmem>>
        %dma_wait3A_480 = tpu.memref_squeeze %dma_wait3A_479 : memref<1x32x1x128xf32, #tpu.memory_space<vmem>> -> memref<32x1x128xf32, #tpu.memory_space<vmem>>
        tpu.wait_dma2 semaphore(%arg10 : memref<!tpu.dma_semaphore, #tpu.memory_space<semaphore_mem>>) src(%dma_wait3A_480 : memref<32x1x128xf32, #tpu.memory_space<vmem>>) dst(%dma_wait3A_475 : memref<32x1x128xf32, #tpu.memory_space<hbm>>)
      } else {
      }
      %scan3A_427 = arith.constant 0 : i32
      %scan3A_428 = arith.constant 0 : i32
      %scan3A_429 = arith.constant 32 : i32
      %scan3A_430 = arith.addi %scan3A_428, %scan3A_429 : i32
      %scan3A_431 = arith.constant 1 : i32
      scf.for %scan3A_458 = %scan3A_428 to %scan3A_430 step %scan3A_431  : i32 {
        %mul3A_459 = arith.constant 128 : i32
        %mul3A_460 = arith.muli %scan3A_458, %mul3A_459 : i32
        %add3A_461 = arith.constant 12288 : i32
        %add3A_462 = arith.addi %add3A_461, %mul3A_460 : i32
        %add3A_463 = arith.constant 0 : i32
        %add3A_464 = arith.addi %add3A_462, %add3A_463 : i32
        %get3A = arith.index_cast %add3A_464 : i32 to index
        %get3A_465 = tpu.vector_load %arg6[%get3A] {strides = array<i32>} : memref<16384xi32, #tpu.memory_space<vmem>>, vector<16xi32>,
        %add3A_466 = vector.broadcast %sub3A_316 : i32 to vector<16xi32>
        %add3A_467 = arith.addi %get3A_465, %add3A_466 : vector<16xi32>
        %shift_right_arithmetic3A = arith.constant 7 : i32
        %shift_right_arithmetic3A_468 = vector.broadcast %shift_right_arithmetic3A : i32 to vector<16xi32>
        %shift_right_arithmetic3A_469 = arith.shrsi %add3A_467, %shift_right_arithmetic3A_468 : vector<16xi32>
        %and3A_470 = arith.constant 127 : i32
        %and3A_471 = vector.broadcast %and3A_470 : i32 to vector<16xi32>
        %and3A_472 = arith.andi %add3A_467, %and3A_471 : vector<16xi32>
        %gather3A = tpu.vector_load_idx %arg5[%shift_right_arithmetic3A_469, %broadcast_in_dim3A_1, %and3A_472] : memref<783x1x128xf32, #tpu.memory_space<vmem>>[vector<16xi32>, vector<16xi32>, vector<16xi32>], vector<16xf32>,
        %swap3A = arith.constant 1 : i32
        %swap3A_473 = arith.constant 0 : i32
        %swap3A_474 = arith.index_cast %swap3A : i32 to index
        %swap3A_475 = arith.index_cast %scan3A_458 : i32 to index
        %swap3A_476 = arith.index_cast %swap3A_473 : i32 to index
        %swap3A_477 = arith.constant 0 : index
        %swap3A_478 = tpu.vector_load %arg7[%swap3A_474, %swap3A_475, %swap3A_476, %swap3A_477] {strides = array<i32>} : memref<2x32x1x128xf32, #tpu.memory_space<vmem>>, vector<16xf32>,
        tpu.vector_store %arg7[%swap3A_474, %swap3A_475, %swap3A_476, %swap3A_477], %gather3A {strides = array<i32>} : memref<2x32x1x128xf32, #tpu.memory_space<vmem>>, vector<16xf32>,
        %mul3A_479 = arith.constant 128 : i32
        %mul3A_480 = arith.muli %scan3A_458, %mul3A_479 : i32
        %add3A_481 = arith.constant 12288 : i32
        %add3A_482 = arith.addi %add3A_481, %mul3A_480 : i32
        %add3A_483 = arith.constant 16 : i32
        %add3A_484 = arith.addi %add3A_482, %add3A_483 : i32
        %get3A_485 = arith.index_cast %add3A_484 : i32 to index
        %get3A_486 = tpu.vector_load %arg6[%get3A_485] {strides = array<i32>} : memref<16384xi32, #tpu.memory_space<vmem>>, vector<16xi32>,
        %add3A_487 = vector.broadcast %sub3A_316 : i32 to vector<16xi32>
        %add3A_488 = arith.addi %get3A_486, %add3A_487 : vector<16xi32>
        %shift_right_arithmetic3A_489 = arith.constant 7 : i32
        %shift_right_arithmetic3A_490 = vector.broadcast %shift_right_arithmetic3A_489 : i32 to vector<16xi32>
        %shift_right_arithmetic3A_491 = arith.shrsi %add3A_488, %shift_right_arithmetic3A_490 : vector<16xi32>
        %and3A_492 = arith.constant 127 : i32
        %and3A_493 = vector.broadcast %and3A_492 : i32 to vector<16xi32>
        %and3A_494 = arith.andi %add3A_488, %and3A_493 : vector<16xi32>
        %gather3A_495 = tpu.vector_load_idx %arg5[%shift_right_arithmetic3A_491, %broadcast_in_dim3A_1, %and3A_494] : memref<783x1x128xf32, #tpu.memory_space<vmem>>[vector<16xi32>, vector<16xi32>, vector<16xi32>], vector<16xf32>,
        %swap3A_496 = arith.constant 1 : i32
        %swap3A_497 = arith.constant 0 : i32
        %swap3A_498 = arith.index_cast %swap3A_496 : i32 to index
        %swap3A_499 = arith.index_cast %scan3A_458 : i32 to index
        %swap3A_500 = arith.index_cast %swap3A_497 : i32 to index
        %swap3A_501 = arith.constant 16 : index
        %swap3A_502 = tpu.vector_load %arg7[%swap3A_498, %swap3A_499, %swap3A_500, %swap3A_501] {strides = array<i32>} : memref<2x32x1x128xf32, #tpu.memory_space<vmem>>, vector<16xf32>,
        tpu.vector_store %arg7[%swap3A_498, %swap3A_499, %swap3A_500, %swap3A_501], %gather3A_495 {strides = array<i32>} : memref<2x32x1x128xf32, #tpu.memory_space<vmem>>, vector<16xf32>,
        %mul3A_503 = arith.constant 128 : i32
        %mul3A_504 = arith.muli %scan3A_458, %mul3A_503 : i32
        %add3A_505 = arith.constant 12288 : i32
        %add3A_506 = arith.addi %add3A_505, %mul3A_504 : i32
        %add3A_507 = arith.constant 32 : i32
        %add3A_508 = arith.addi %add3A_506, %add3A_507 : i32
        %get3A_509 = arith.index_cast %add3A_508 : i32 to index
        %get3A_510 = tpu.vector_load %arg6[%get3A_509] {strides = array<i32>} : memref<16384xi32, #tpu.memory_space<vmem>>, vector<16xi32>,
        %add3A_511 = vector.broadcast %sub3A_316 : i32 to vector<16xi32>
        %add3A_512 = arith.addi %get3A_510, %add3A_511 : vector<16xi32>
        %shift_right_arithmetic3A_513 = arith.constant 7 : i32
        %shift_right_arithmetic3A_514 = vector.broadcast %shift_right_arithmetic3A_513 : i32 to vector<16xi32>
        %shift_right_arithmetic3A_515 = arith.shrsi %add3A_512, %shift_right_arithmetic3A_514 : vector<16xi32>
        %and3A_516 = arith.constant 127 : i32
        %and3A_517 = vector.broadcast %and3A_516 : i32 to vector<16xi32>
        %and3A_518 = arith.andi %add3A_512, %and3A_517 : vector<16xi32>
        %gather3A_519 = tpu.vector_load_idx %arg5[%shift_right_arithmetic3A_515, %broadcast_in_dim3A_1, %and3A_518] : memref<783x1x128xf32, #tpu.memory_space<vmem>>[vector<16xi32>, vector<16xi32>, vector<16xi32>], vector<16xf32>,
        %swap3A_520 = arith.constant 1 : i32
        %swap3A_521 = arith.constant 0 : i32
        %swap3A_522 = arith.index_cast %swap3A_520 : i32 to index
        %swap3A_523 = arith.index_cast %scan3A_458 : i32 to index
        %swap3A_524 = arith.index_cast %swap3A_521 : i32 to index
        %swap3A_525 = arith.constant 32 : index
        %swap3A_526 = tpu.vector_load %arg7[%swap3A_522, %swap3A_523, %swap3A_524, %swap3A_525] {strides = array<i32>} : memref<2x32x1x128xf32, #tpu.memory_space<vmem>>, vector<16xf32>,
        tpu.vector_store %arg7[%swap3A_522, %swap3A_523, %swap3A_524, %swap3A_525], %gather3A_519 {strides = array<i32>} : memref<2x32x1x128xf32, #tpu.memory_space<vmem>>, vector<16xf32>,
        %mul3A_527 = arith.constant 128 : i32
        %mul3A_528 = arith.muli %scan3A_458, %mul3A_527 : i32
        %add3A_529 = arith.constant 12288 : i32
        %add3A_530 = arith.addi %add3A_529, %mul3A_528 : i32
        %add3A_531 = arith.constant 48 : i32
        %add3A_532 = arith.addi %add3A_530, %add3A_531 : i32
        %get3A_533 = arith.index_cast %add3A_532 : i32 to index
        %get3A_534 = tpu.vector_load %arg6[%get3A_533] {strides = array<i32>} : memref<16384xi32, #tpu.memory_space<vmem>>, vector<16xi32>,
        %add3A_535 = vector.broadcast %sub3A_316 : i32 to vector<16xi32>
        %add3A_536 = arith.addi %get3A_534, %add3A_535 : vector<16xi32>
        %shift_right_arithmetic3A_537 = arith.constant 7 : i32
        %shift_right_arithmetic3A_538 = vector.broadcast %shift_right_arithmetic3A_537 : i32 to vector<16xi32>
        %shift_right_arithmetic3A_539 = arith.shrsi %add3A_536, %shift_right_arithmetic3A_538 : vector<16xi32>
        %and3A_540 = arith.constant 127 : i32
        %and3A_541 = vector.broadcast %and3A_540 : i32 to vector<16xi32>
        %and3A_542 = arith.andi %add3A_536, %and3A_541 : vector<16xi32>
        %gather3A_543 = tpu.vector_load_idx %arg5[%shift_right_arithmetic3A_539, %broadcast_in_dim3A_1, %and3A_542] : memref<783x1x128xf32, #tpu.memory_space<vmem>>[vector<16xi32>, vector<16xi32>, vector<16xi32>], vector<16xf32>,
        %swap3A_544 = arith.constant 1 : i32
        %swap3A_545 = arith.constant 0 : i32
        %swap3A_546 = arith.index_cast %swap3A_544 : i32 to index
        %swap3A_547 = arith.index_cast %scan3A_458 : i32 to index
        %swap3A_548 = arith.index_cast %swap3A_545 : i32 to index
        %swap3A_549 = arith.constant 48 : index
        %swap3A_550 = tpu.vector_load %arg7[%swap3A_546, %swap3A_547, %swap3A_548, %swap3A_549] {strides = array<i32>} : memref<2x32x1x128xf32, #tpu.memory_space<vmem>>, vector<16xf32>,
        tpu.vector_store %arg7[%swap3A_546, %swap3A_547, %swap3A_548, %swap3A_549], %gather3A_543 {strides = array<i32>} : memref<2x32x1x128xf32, #tpu.memory_space<vmem>>, vector<16xf32>,
        %mul3A_551 = arith.constant 128 : i32
        %mul3A_552 = arith.muli %scan3A_458, %mul3A_551 : i32
        %add3A_553 = arith.constant 12288 : i32
        %add3A_554 = arith.addi %add3A_553, %mul3A_552 : i32
        %add3A_555 = arith.constant 64 : i32
        %add3A_556 = arith.addi %add3A_554, %add3A_555 : i32
        %get3A_557 = arith.index_cast %add3A_556 : i32 to index
        %get3A_558 = tpu.vector_load %arg6[%get3A_557] {strides = array<i32>} : memref<16384xi32, #tpu.memory_space<vmem>>, vector<16xi32>,
        %add3A_559 = vector.broadcast %sub3A_316 : i32 to vector<16xi32>
        %add3A_560 = arith.addi %get3A_558, %add3A_559 : vector<16xi32>
        %shift_right_arithmetic3A_561 = arith.constant 7 : i32
        %shift_right_arithmetic3A_562 = vector.broadcast %shift_right_arithmetic3A_561 : i32 to vector<16xi32>
        %shift_right_arithmetic3A_563 = arith.shrsi %add3A_560, %shift_right_arithmetic3A_562 : vector<16xi32>
        %and3A_564 = arith.constant 127 : i32
        %and3A_565 = vector.broadcast %and3A_564 : i32 to vector<16xi32>
        %and3A_566 = arith.andi %add3A_560, %and3A_565 : vector<16xi32>
        %gather3A_567 = tpu.vector_load_idx %arg5[%shift_right_arithmetic3A_563, %broadcast_in_dim3A_1, %and3A_566] : memref<783x1x128xf32, #tpu.memory_space<vmem>>[vector<16xi32>, vector<16xi32>, vector<16xi32>], vector<16xf32>,
        %swap3A_568 = arith.constant 1 : i32
        %swap3A_569 = arith.constant 0 : i32
        %swap3A_570 = arith.index_cast %swap3A_568 : i32 to index
        %swap3A_571 = arith.index_cast %scan3A_458 : i32 to index
        %swap3A_572 = arith.index_cast %swap3A_569 : i32 to index
        %swap3A_573 = arith.constant 64 : index
        %swap3A_574 = tpu.vector_load %arg7[%swap3A_570, %swap3A_571, %swap3A_572, %swap3A_573] {strides = array<i32>} : memref<2x32x1x128xf32, #tpu.memory_space<vmem>>, vector<16xf32>,
        tpu.vector_store %arg7[%swap3A_570, %swap3A_571, %swap3A_572, %swap3A_573], %gather3A_567 {strides = array<i32>} : memref<2x32x1x128xf32, #tpu.memory_space<vmem>>, vector<16xf32>,
        %mul3A_575 = arith.constant 128 : i32
        %mul3A_576 = arith.muli %scan3A_458, %mul3A_575 : i32
        %add3A_577 = arith.constant 12288 : i32
        %add3A_578 = arith.addi %add3A_577, %mul3A_576 : i32
        %add3A_579 = arith.constant 80 : i32
        %add3A_580 = arith.addi %add3A_578, %add3A_579 : i32
        %get3A_581 = arith.index_cast %add3A_580 : i32 to index
        %get3A_582 = tpu.vector_load %arg6[%get3A_581] {strides = array<i32>} : memref<16384xi32, #tpu.memory_space<vmem>>, vector<16xi32>,
        %add3A_583 = vector.broadcast %sub3A_316 : i32 to vector<16xi32>
        %add3A_584 = arith.addi %get3A_582, %add3A_583 : vector<16xi32>
        %shift_right_arithmetic3A_585 = arith.constant 7 : i32
        %shift_right_arithmetic3A_586 = vector.broadcast %shift_right_arithmetic3A_585 : i32 to vector<16xi32>
        %shift_right_arithmetic3A_587 = arith.shrsi %add3A_584, %shift_right_arithmetic3A_586 : vector<16xi32>
        %and3A_588 = arith.constant 127 : i32
        %and3A_589 = vector.broadcast %and3A_588 : i32 to vector<16xi32>
        %and3A_590 = arith.andi %add3A_584, %and3A_589 : vector<16xi32>
        %gather3A_591 = tpu.vector_load_idx %arg5[%shift_right_arithmetic3A_587, %broadcast_in_dim3A_1, %and3A_590] : memref<783x1x128xf32, #tpu.memory_space<vmem>>[vector<16xi32>, vector<16xi32>, vector<16xi32>], vector<16xf32>,
        %swap3A_592 = arith.constant 1 : i32
        %swap3A_593 = arith.constant 0 : i32
        %swap3A_594 = arith.index_cast %swap3A_592 : i32 to index
        %swap3A_595 = arith.index_cast %scan3A_458 : i32 to index
        %swap3A_596 = arith.index_cast %swap3A_593 : i32 to index
        %swap3A_597 = arith.constant 80 : index
        %swap3A_598 = tpu.vector_load %arg7[%swap3A_594, %swap3A_595, %swap3A_596, %swap3A_597] {strides = array<i32>} : memref<2x32x1x128xf32, #tpu.memory_space<vmem>>, vector<16xf32>,
        tpu.vector_store %arg7[%swap3A_594, %swap3A_595, %swap3A_596, %swap3A_597], %gather3A_591 {strides = array<i32>} : memref<2x32x1x128xf32, #tpu.memory_space<vmem>>, vector<16xf32>,
        %mul3A_599 = arith.constant 128 : i32
        %mul3A_600 = arith.muli %scan3A_458, %mul3A_599 : i32
        %add3A_601 = arith.constant 12288 : i32
        %add3A_602 = arith.addi %add3A_601, %mul3A_600 : i32
        %add3A_603 = arith.constant 96 : i32
        %add3A_604 = arith.addi %add3A_602, %add3A_603 : i32
        %get3A_605 = arith.index_cast %add3A_604 : i32 to index
        %get3A_606 = tpu.vector_load %arg6[%get3A_605] {strides = array<i32>} : memref<16384xi32, #tpu.memory_space<vmem>>, vector<16xi32>,
        %add3A_607 = vector.broadcast %sub3A_316 : i32 to vector<16xi32>
        %add3A_608 = arith.addi %get3A_606, %add3A_607 : vector<16xi32>
        %shift_right_arithmetic3A_609 = arith.constant 7 : i32
        %shift_right_arithmetic3A_610 = vector.broadcast %shift_right_arithmetic3A_609 : i32 to vector<16xi32>
        %shift_right_arithmetic3A_611 = arith.shrsi %add3A_608, %shift_right_arithmetic3A_610 : vector<16xi32>
        %and3A_612 = arith.constant 127 : i32
        %and3A_613 = vector.broadcast %and3A_612 : i32 to vector<16xi32>
        %and3A_614 = arith.andi %add3A_608, %and3A_613 : vector<16xi32>
        %gather3A_615 = tpu.vector_load_idx %arg5[%shift_right_arithmetic3A_611, %broadcast_in_dim3A_1, %and3A_614] : memref<783x1x128xf32, #tpu.memory_space<vmem>>[vector<16xi32>, vector<16xi32>, vector<16xi32>], vector<16xf32>,
        %swap3A_616 = arith.constant 1 : i32
        %swap3A_617 = arith.constant 0 : i32
        %swap3A_618 = arith.index_cast %swap3A_616 : i32 to index
        %swap3A_619 = arith.index_cast %scan3A_458 : i32 to index
        %swap3A_620 = arith.index_cast %swap3A_617 : i32 to index
        %swap3A_621 = arith.constant 96 : index
        %swap3A_622 = tpu.vector_load %arg7[%swap3A_618, %swap3A_619, %swap3A_620, %swap3A_621] {strides = array<i32>} : memref<2x32x1x128xf32, #tpu.memory_space<vmem>>, vector<16xf32>,
        tpu.vector_store %arg7[%swap3A_618, %swap3A_619, %swap3A_620, %swap3A_621], %gather3A_615 {strides = array<i32>} : memref<2x32x1x128xf32, #tpu.memory_space<vmem>>, vector<16xf32>,
        %mul3A_623 = arith.constant 128 : i32
        %mul3A_624 = arith.muli %scan3A_458, %mul3A_623 : i32
        %add3A_625 = arith.constant 12288 : i32
        %add3A_626 = arith.addi %add3A_625, %mul3A_624 : i32
        %add3A_627 = arith.constant 112 : i32
        %add3A_628 = arith.addi %add3A_626, %add3A_627 : i32
        %get3A_629 = arith.index_cast %add3A_628 : i32 to index
        %get3A_630 = tpu.vector_load %arg6[%get3A_629] {strides = array<i32>} : memref<16384xi32, #tpu.memory_space<vmem>>, vector<16xi32>,
        %add3A_631 = vector.broadcast %sub3A_316 : i32 to vector<16xi32>
        %add3A_632 = arith.addi %get3A_630, %add3A_631 : vector<16xi32>
        %shift_right_arithmetic3A_633 = arith.constant 7 : i32
        %shift_right_arithmetic3A_634 = vector.broadcast %shift_right_arithmetic3A_633 : i32 to vector<16xi32>
        %shift_right_arithmetic3A_635 = arith.shrsi %add3A_632, %shift_right_arithmetic3A_634 : vector<16xi32>
        %and3A_636 = arith.constant 127 : i32
        %and3A_637 = vector.broadcast %and3A_636 : i32 to vector<16xi32>
        %and3A_638 = arith.andi %add3A_632, %and3A_637 : vector<16xi32>
        %gather3A_639 = tpu.vector_load_idx %arg5[%shift_right_arithmetic3A_635, %broadcast_in_dim3A_1, %and3A_638] : memref<783x1x128xf32, #tpu.memory_space<vmem>>[vector<16xi32>, vector<16xi32>, vector<16xi32>], vector<16xf32>,
        %swap3A_640 = arith.constant 1 : i32
        %swap3A_641 = arith.constant 0 : i32
        %swap3A_642 = arith.index_cast %swap3A_640 : i32 to index
        %swap3A_643 = arith.index_cast %scan3A_458 : i32 to index
        %swap3A_644 = arith.index_cast %swap3A_641 : i32 to index
        %swap3A_645 = arith.constant 112 : index
        %swap3A_646 = tpu.vector_load %arg7[%swap3A_642, %swap3A_643, %swap3A_644, %swap3A_645] {strides = array<i32>} : memref<2x32x1x128xf32, #tpu.memory_space<vmem>>, vector<16xf32>,
        tpu.vector_store %arg7[%swap3A_642, %swap3A_643, %swap3A_644, %swap3A_645], %gather3A_639 {strides = array<i32>} : memref<2x32x1x128xf32, #tpu.memory_space<vmem>>, vector<16xf32>,
      }
      %scan3A_432 = arith.constant 32 : i32
      %dma_start3A_433 = arith.constant 1 : i32
      %dma_start3A_434 = arith.constant 0 : i32
      %dma_start3A_435 = arith.constant 0 : i32
      %dma_start3A_436 = arith.constant 0 : i32
      %dma_start3A_437 = tpu.memref_slice %arg7[%dma_start3A_433, %dma_start3A_434, %dma_start3A_435, %dma_start3A_436] : memref<2x32x1x128xf32, #tpu.memory_space<vmem>> -> memref<1x32x1x128xf32, #tpu.memory_space<vmem>>
      %dma_start3A_438 = tpu.memref_squeeze %dma_start3A_437 : memref<1x32x1x128xf32, #tpu.memory_space<vmem>> -> memref<32x1x128xf32, #tpu.memory_space<vmem>>
      %dma_start3A_439 = arith.constant 96 : i32
      %dma_start3A_440 = arith.constant 0 : i32
      %dma_start3A_441 = tpu.memref_slice %arg4[%select_n3A_257, %select_n3A_283, %dma_start3A_439, %rem3A_285, %dma_start3A_440] : memref<26x4x128x8x128xf32, #tpu.memory_space<hbm>> -> memref<1x1x32x1x128xf32, #tpu.memory_space<hbm>>
      %dma_start3A_442 = tpu.memref_squeeze %dma_start3A_441 : memref<1x1x32x1x128xf32, #tpu.memory_space<hbm>> -> memref<32x1x128xf32, #tpu.memory_space<hbm>>
      %dma_start3A_443 = arith.constant 96 : i32
      %dma_start3A_444 = arith.constant 0 : i32
      %dma_start3A_445 = tpu.memref_slice %arg4[%select_n3A_257, %select_n3A_283, %dma_start3A_443, %rem3A_285, %dma_start3A_444] : memref<26x4x128x8x128xf32, #tpu.memory_space<hbm>> -> memref<1x1x32x1x128xf32, #tpu.memory_space<hbm>>
      %dma_start3A_446 = tpu.memref_squeeze %dma_start3A_445 : memref<1x1x32x1x128xf32, #tpu.memory_space<hbm>> -> memref<32x1x128xf32, #tpu.memory_space<hbm>>
      %dma_start3A_447 = arith.constant 0 : i32
      %dma_start3A_448 = arith.constant 0 : i32
      %dma_start3A_449 = arith.constant 0 : i32
      %dma_start3A_450 = tpu.memref_slice %arg7[%dma_start3A_433, %dma_start3A_447, %dma_start3A_448, %dma_start3A_449] : memref<2x32x1x128xf32, #tpu.memory_space<vmem>> -> memref<1x32x1x128xf32, #tpu.memory_space<vmem>>
      %dma_start3A_451 = tpu.memref_squeeze %dma_start3A_450 : memref<1x32x1x128xf32, #tpu.memory_space<vmem>> -> memref<32x1x128xf32, #tpu.memory_space<vmem>>
      tpu.enqueue_dma source(%dma_start3A_451 : memref<32x1x128xf32, #tpu.memory_space<vmem>>) target(%dma_start3A_446 : memref<32x1x128xf32, #tpu.memory_space<hbm>>) target_semaphore(%arg10 : memref<!tpu.dma_semaphore, #tpu.memory_space<semaphore_mem>>)
      %add3A_452 = arith.constant 1 : i32
      %add3A_453 = arith.addi %scan3A_230, %add3A_452 : i32
      %lt3A = arith.constant 26 : i32
      %lt3A_454 = arith.cmpi slt, %add3A_453, %lt3A : i32
      %convert_element_type3A_455 = arith.extui %lt3A_454 : i1 to i32
      %cond3A_456 = arith.constant 0 : i32
      %cond3A_457 = arith.cmpi ne, %convert_element_type3A_455, %cond3A_456 : i32
      scf.if %cond3A_457 {
        %add3A_458 = arith.constant 1 : i32
        %add3A_459 = arith.addi %scan3A_230, %add3A_458 : i32
        %mul3A_460 = arith.constant 26 : i32
        %mul3A_461 = arith.muli %add3A, %mul3A_460 : i32
        %add3A_462 = arith.addi %mul3A_461, %add3A_459 : i32
        %jit3A_463 = arith.constant 32 : i32
        %div3A_464 = arith.divsi %add3A_462, %jit3A_463 : i32
        %sign3A_465 = arith.constant 0 : i32
        %sign3A_466 = arith.cmpi sgt, %add3A_462, %sign3A_465 : i32
        %sign3A_467 = arith.extui %sign3A_466 : i1 to i32
        %sign3A_468 = arith.constant 0 : i32
        %sign3A_469 = arith.cmpi slt, %add3A_462, %sign3A_468 : i32
        %sign3A_470 = arith.extui %sign3A_469 : i1 to i32
        %sign3A_471 = arith.subi %sign3A_467, %sign3A_470 : i32
        %sign3A_472 = arith.constant 0 : i32
        %sign3A_473 = arith.cmpi sgt, %jit3A_463, %sign3A_472 : i32
        %sign3A_474 = arith.extui %sign3A_473 : i1 to i32
        %sign3A_475 = arith.constant 0 : i32
        %sign3A_476 = arith.cmpi slt, %jit3A_463, %sign3A_475 : i32
        %sign3A_477 = arith.extui %sign3A_476 : i1 to i32
        %sign3A_478 = arith.subi %sign3A_474, %sign3A_477 : i32
        %ne3A_479 = arith.cmpi ne, %sign3A_471, %sign3A_478 : i32
        %rem3A_480 = arith.remsi %add3A_462, %jit3A_463 : i32
        %ne3A_481 = arith.constant 0 : i32
        %ne3A_482 = arith.cmpi ne, %rem3A_480, %ne3A_481 : i32
        %and3A_483 = arith.andi %ne3A_479, %ne3A_482 : i1
        %sub3A_484 = arith.constant 1 : i32
        %sub3A_485 = arith.subi %div3A_464, %sub3A_484 : i32
        %select_n3A_486 = arith.select %and3A_483, %sub3A_485, %div3A_464 : i32
        %rem3A_487 = arith.constant 32 : i32
        %rem3A_488 = arith.remsi %add3A_462, %rem3A_487 : i32
        %jit3A_489 = arith.constant 8 : i32
        %div3A_490 = arith.divsi %rem3A_488, %jit3A_489 : i32
        %sign3A_491 = arith.constant 0 : i32
        %sign3A_492 = arith.cmpi sgt, %rem3A_488, %sign3A_491 : i32
        %sign3A_493 = arith.extui %sign3A_492 : i1 to i32
        %sign3A_494 = arith.constant 0 : i32
        %sign3A_495 = arith.cmpi slt, %rem3A_488, %sign3A_494 : i32
        %sign3A_496 = arith.extui %sign3A_495 : i1 to i32
        %sign3A_497 = arith.subi %sign3A_493, %sign3A_496 : i32
        %sign3A_498 = arith.constant 0 : i32
        %sign3A_499 = arith.cmpi sgt, %jit3A_489, %sign3A_498 : i32
        %sign3A_500 = arith.extui %sign3A_499 : i1 to i32
        %sign3A_501 = arith.constant 0 : i32
        %sign3A_502 = arith.cmpi slt, %jit3A_489, %sign3A_501 : i32
        %sign3A_503 = arith.extui %sign3A_502 : i1 to i32
        %sign3A_504 = arith.subi %sign3A_500, %sign3A_503 : i32
        %ne3A_505 = arith.cmpi ne, %sign3A_497, %sign3A_504 : i32
        %rem3A_506 = arith.remsi %rem3A_488, %jit3A_489 : i32
        %ne3A_507 = arith.constant 0 : i32
        %ne3A_508 = arith.cmpi ne, %rem3A_506, %ne3A_507 : i32
        %and3A_509 = arith.andi %ne3A_505, %ne3A_508 : i1
        %sub3A_510 = arith.constant 1 : i32
        %sub3A_511 = arith.subi %div3A_490, %sub3A_510 : i32
        %select_n3A_512 = arith.select %and3A_509, %sub3A_511, %div3A_490 : i32
        %rem3A_513 = arith.constant 8 : i32
        %rem3A_514 = arith.remsi %rem3A_488, %rem3A_513 : i32
        %mul3A_515 = arith.constant 100000 : i32
        %mul3A_516 = arith.muli %select_n3A_486, %mul3A_515 : i32
        %jit3A_517 = arith.constant 128 : i32
        %div3A_518 = arith.divsi %mul3A_516, %jit3A_517 : i32
        %sign3A_519 = arith.constant 0 : i32
        %sign3A_520 = arith.cmpi sgt, %mul3A_516, %sign3A_519 : i32
        %sign3A_521 = arith.extui %sign3A_520 : i1 to i32
        %sign3A_522 = arith.constant 0 : i32
        %sign3A_523 = arith.cmpi slt, %mul3A_516, %sign3A_522 : i32
        %sign3A_524 = arith.extui %sign3A_523 : i1 to i32
        %sign3A_525 = arith.subi %sign3A_521, %sign3A_524 : i32
        %sign3A_526 = arith.constant 0 : i32
        %sign3A_527 = arith.cmpi sgt, %jit3A_517, %sign3A_526 : i32
        %sign3A_528 = arith.extui %sign3A_527 : i1 to i32
        %sign3A_529 = arith.constant 0 : i32
        %sign3A_530 = arith.cmpi slt, %jit3A_517, %sign3A_529 : i32
        %sign3A_531 = arith.extui %sign3A_530 : i1 to i32
        %sign3A_532 = arith.subi %sign3A_528, %sign3A_531 : i32
        %ne3A_533 = arith.cmpi ne, %sign3A_525, %sign3A_532 : i32
        %rem3A_534 = arith.remsi %mul3A_516, %jit3A_517 : i32
        %ne3A_535 = arith.constant 0 : i32
        %ne3A_536 = arith.cmpi ne, %rem3A_534, %ne3A_535 : i32
        %and3A_537 = arith.andi %ne3A_533, %ne3A_536 : i1
        %sub3A_538 = arith.constant 1 : i32
        %sub3A_539 = arith.subi %div3A_518, %sub3A_538 : i32
        %select_n3A_540 = arith.select %and3A_537, %sub3A_539, %div3A_518 : i32
        %min3A_541 = arith.constant 19530 : i32
        %min3A_542 = arith.minsi %select_n3A_540, %min3A_541 : i32
        %mul3A_543 = arith.constant 128 : i32
        %mul3A_544 = arith.muli %min3A_542, %mul3A_543 : i32
        %sub3A_545 = arith.subi %mul3A_516, %mul3A_544 : i32
        %ne3A_546 = arith.cmpi ne, %select_n3A_486, %select_n3A_257 : i32
        %convert_element_type3A_547 = arith.extui %ne3A_546 : i1 to i32
        %cond3A_548 = arith.constant 0 : i32
        %cond3A_549 = arith.cmpi ne, %convert_element_type3A_547, %cond3A_548 : i32
        scf.if %cond3A_549 {
          %mul3A_644 = arith.constant 16384 : i32
          %mul3A_645 = arith.muli %select_n3A_486, %mul3A_644 : i32
          %dma_start3A_646 = tpu.memref_slice %arg2[%mul3A_645] : memref<425984xi32, #tpu.memory_space<hbm>> -> memref<16384xi32, #tpu.memory_space<hbm>>
          %dma_start3A_647 = tpu.memref_slice %arg2[%mul3A_645] : memref<425984xi32, #tpu.memory_space<hbm>> -> memref<16384xi32, #tpu.memory_space<hbm>>
          tpu.enqueue_dma source(%dma_start3A_647 : memref<16384xi32, #tpu.memory_space<hbm>>) target(%arg6 : memref<16384xi32, #tpu.memory_space<vmem>>) target_semaphore(%arg9 : memref<!tpu.dma_semaphore, #tpu.memory_space<semaphore_mem>>)
          %dma_wait3A_648 = arith.constant 0 : i32
          %dma_wait3A_649 = tpu.memref_slice %arg2[%dma_wait3A_648] : memref<425984xi32, #tpu.memory_space<hbm>> -> memref<16384xi32, #tpu.memory_space<hbm>>
          %dma_wait3A_650 = arith.constant 0 : i32
          %dma_wait3A_651 = tpu.memref_slice %arg2[%dma_wait3A_650] : memref<425984xi32, #tpu.memory_space<hbm>> -> memref<16384xi32, #tpu.memory_space<hbm>>
          tpu.wait_dma2 semaphore(%arg9 : memref<!tpu.dma_semaphore, #tpu.memory_space<semaphore_mem>>) src(%dma_wait3A_651 : memref<16384xi32, #tpu.memory_space<hbm>>) dst(%arg6 : memref<16384xi32, #tpu.memory_space<vmem>>)
        } else {
        }
        %add3A_550 = arith.constant 1 : i32
        %add3A_551 = arith.addi %scan3A_230, %add3A_550 : i32
        %mul3A_552 = arith.constant 26 : i32
        %mul3A_553 = arith.muli %add3A, %mul3A_552 : i32
        %add3A_554 = arith.addi %mul3A_553, %add3A_551 : i32
        %jit3A_555 = arith.constant 32 : i32
        %div3A_556 = arith.divsi %add3A_554, %jit3A_555 : i32
        %sign3A_557 = arith.constant 0 : i32
        %sign3A_558 = arith.cmpi sgt, %add3A_554, %sign3A_557 : i32
        %sign3A_559 = arith.extui %sign3A_558 : i1 to i32
        %sign3A_560 = arith.constant 0 : i32
        %sign3A_561 = arith.cmpi slt, %add3A_554, %sign3A_560 : i32
        %sign3A_562 = arith.extui %sign3A_561 : i1 to i32
        %sign3A_563 = arith.subi %sign3A_559, %sign3A_562 : i32
        %sign3A_564 = arith.constant 0 : i32
        %sign3A_565 = arith.cmpi sgt, %jit3A_555, %sign3A_564 : i32
        %sign3A_566 = arith.extui %sign3A_565 : i1 to i32
        %sign3A_567 = arith.constant 0 : i32
        %sign3A_568 = arith.cmpi slt, %jit3A_555, %sign3A_567 : i32
        %sign3A_569 = arith.extui %sign3A_568 : i1 to i32
        %sign3A_570 = arith.subi %sign3A_566, %sign3A_569 : i32
        %ne3A_571 = arith.cmpi ne, %sign3A_563, %sign3A_570 : i32
        %rem3A_572 = arith.remsi %add3A_554, %jit3A_555 : i32
        %ne3A_573 = arith.constant 0 : i32
        %ne3A_574 = arith.cmpi ne, %rem3A_572, %ne3A_573 : i32
        %and3A_575 = arith.andi %ne3A_571, %ne3A_574 : i1
        %sub3A_576 = arith.constant 1 : i32
        %sub3A_577 = arith.subi %div3A_556, %sub3A_576 : i32
        %select_n3A_578 = arith.select %and3A_575, %sub3A_577, %div3A_556 : i32
        %rem3A_579 = arith.constant 32 : i32
        %rem3A_580 = arith.remsi %add3A_554, %rem3A_579 : i32
        %jit3A_581 = arith.constant 8 : i32
        %div3A_582 = arith.divsi %rem3A_580, %jit3A_581 : i32
        %sign3A_583 = arith.constant 0 : i32
        %sign3A_584 = arith.cmpi sgt, %rem3A_580, %sign3A_583 : i32
        %sign3A_585 = arith.extui %sign3A_584 : i1 to i32
        %sign3A_586 = arith.constant 0 : i32
        %sign3A_587 = arith.cmpi slt, %rem3A_580, %sign3A_586 : i32
        %sign3A_588 = arith.extui %sign3A_587 : i1 to i32
        %sign3A_589 = arith.subi %sign3A_585, %sign3A_588 : i32
        %sign3A_590 = arith.constant 0 : i32
        %sign3A_591 = arith.cmpi sgt, %jit3A_581, %sign3A_590 : i32
        %sign3A_592 = arith.extui %sign3A_591 : i1 to i32
        %sign3A_593 = arith.constant 0 : i32
        %sign3A_594 = arith.cmpi slt, %jit3A_581, %sign3A_593 : i32
        %sign3A_595 = arith.extui %sign3A_594 : i1 to i32
        %sign3A_596 = arith.subi %sign3A_592, %sign3A_595 : i32
        %ne3A_597 = arith.cmpi ne, %sign3A_589, %sign3A_596 : i32
        %rem3A_598 = arith.remsi %rem3A_580, %jit3A_581 : i32
        %ne3A_599 = arith.constant 0 : i32
        %ne3A_600 = arith.cmpi ne, %rem3A_598, %ne3A_599 : i32
        %and3A_601 = arith.andi %ne3A_597, %ne3A_600 : i1
        %sub3A_602 = arith.constant 1 : i32
        %sub3A_603 = arith.subi %div3A_582, %sub3A_602 : i32
        %select_n3A_604 = arith.select %and3A_601, %sub3A_603, %div3A_582 : i32
        %rem3A_605 = arith.constant 8 : i32
        %rem3A_606 = arith.remsi %rem3A_580, %rem3A_605 : i32
        %mul3A_607 = arith.constant 100000 : i32
        %mul3A_608 = arith.muli %select_n3A_578, %mul3A_607 : i32
        %jit3A_609 = arith.constant 128 : i32
        %div3A_610 = arith.divsi %mul3A_608, %jit3A_609 : i32
        %sign3A_611 = arith.constant 0 : i32
        %sign3A_612 = arith.cmpi sgt, %mul3A_608, %sign3A_611 : i32
        %sign3A_613 = arith.extui %sign3A_612 : i1 to i32
        %sign3A_614 = arith.constant 0 : i32
        %sign3A_615 = arith.cmpi slt, %mul3A_608, %sign3A_614 : i32
        %sign3A_616 = arith.extui %sign3A_615 : i1 to i32
        %sign3A_617 = arith.subi %sign3A_613, %sign3A_616 : i32
        %sign3A_618 = arith.constant 0 : i32
        %sign3A_619 = arith.cmpi sgt, %jit3A_609, %sign3A_618 : i32
        %sign3A_620 = arith.extui %sign3A_619 : i1 to i32
        %sign3A_621 = arith.constant 0 : i32
        %sign3A_622 = arith.cmpi slt, %jit3A_609, %sign3A_621 : i32
        %sign3A_623 = arith.extui %sign3A_622 : i1 to i32
        %sign3A_624 = arith.subi %sign3A_620, %sign3A_623 : i32
        %ne3A_625 = arith.cmpi ne, %sign3A_617, %sign3A_624 : i32
        %rem3A_626 = arith.remsi %mul3A_608, %jit3A_609 : i32
        %ne3A_627 = arith.constant 0 : i32
        %ne3A_628 = arith.cmpi ne, %rem3A_626, %ne3A_627 : i32
        %and3A_629 = arith.andi %ne3A_625, %ne3A_628 : i1
        %sub3A_630 = arith.constant 1 : i32
        %sub3A_631 = arith.subi %div3A_610, %sub3A_630 : i32
        %select_n3A_632 = arith.select %and3A_629, %sub3A_631, %div3A_610 : i32
        %min3A_633 = arith.constant 19530 : i32
        %min3A_634 = arith.minsi %select_n3A_632, %min3A_633 : i32
        %mul3A_635 = arith.constant 128 : i32
        %mul3A_636 = arith.muli %min3A_634, %mul3A_635 : i32
        %sub3A_637 = arith.subi %mul3A_608, %mul3A_636 : i32
        %dma_start3A_638 = arith.constant 0 : i32
        %dma_start3A_639 = tpu.memref_slice %arg3[%select_n3A_604, %min3A_634, %rem3A_606, %dma_start3A_638] : memref<4x20313x8x128xf32, #tpu.memory_space<hbm>> -> memref<1x783x1x128xf32, #tpu.memory_space<hbm>>
        %dma_start3A_640 = tpu.memref_squeeze %dma_start3A_639 : memref<1x783x1x128xf32, #tpu.memory_space<hbm>> -> memref<783x1x128xf32, #tpu.memory_space<hbm>>
        %dma_start3A_641 = arith.constant 0 : i32
        %dma_start3A_642 = tpu.memref_slice %arg3[%select_n3A_604, %min3A_634, %rem3A_606, %dma_start3A_641] : memref<4x20313x8x128xf32, #tpu.memory_space<hbm>> -> memref<1x783x1x128xf32, #tpu.memory_space<hbm>>
        %dma_start3A_643 = tpu.memref_squeeze %dma_start3A_642 : memref<1x783x1x128xf32, #tpu.memory_space<hbm>> -> memref<783x1x128xf32, #tpu.memory_space<hbm>>
        tpu.enqueue_dma source(%dma_start3A_643 : memref<783x1x128xf32, #tpu.memory_space<hbm>>) target(%arg5 : memref<783x1x128xf32, #tpu.memory_space<vmem>>) target_semaphore(%arg8 : memref<!tpu.dma_semaphore, #tpu.memory_space<semaphore_mem>>)
      } else {
      }
    }
    %scan3A_183 = arith.constant 26 : i32
    %dma_wait3A_184 = arith.constant 0 : i32
    %dma_wait3A_185 = arith.constant 0 : i32
    %dma_wait3A_186 = arith.constant 0 : i32
    %dma_wait3A_187 = arith.constant 0 : i32
    %dma_wait3A_188 = arith.constant 0 : i32
    %dma_wait3A_189 = arith.constant 0 : i32
    %dma_wait3A_190 = tpu.memref_slice %arg7[%dma_wait3A_184, %dma_wait3A_187, %dma_wait3A_188, %dma_wait3A_189] : memref<2x32x1x128xf32, #tpu.memory_space<vmem>> -> memref<1x32x1x128xf32, #tpu.memory_space<vmem>>
    %dma_wait3A_191 = tpu.memref_squeeze %dma_wait3A_190 : memref<1x32x1x128xf32, #tpu.memory_space<vmem>> -> memref<32x1x128xf32, #tpu.memory_space<vmem>>
    %dma_wait3A_192 = arith.constant 0 : i32
    %dma_wait3A_193 = arith.constant 0 : i32
    %dma_wait3A_194 = arith.constant 0 : i32
    %dma_wait3A_195 = tpu.memref_slice %arg4[%dma_wait3A_185, %dma_wait3A_186, %dma_wait3A_192, %dma_wait3A_193, %dma_wait3A_194] : memref<26x4x128x8x128xf32, #tpu.memory_space<hbm>> -> memref<1x1x32x1x128xf32, #tpu.memory_space<hbm>>
    %dma_wait3A_196 = tpu.memref_squeeze %dma_wait3A_195 : memref<1x1x32x1x128xf32, #tpu.memory_space<hbm>> -> memref<32x1x128xf32, #tpu.memory_space<hbm>>
    %dma_wait3A_197 = arith.constant 0 : i32
    %dma_wait3A_198 = arith.constant 0 : i32
    %dma_wait3A_199 = arith.constant 0 : i32
    %dma_wait3A_200 = tpu.memref_slice %arg4[%dma_wait3A_185, %dma_wait3A_186, %dma_wait3A_197, %dma_wait3A_198, %dma_wait3A_199] : memref<26x4x128x8x128xf32, #tpu.memory_space<hbm>> -> memref<1x1x32x1x128xf32, #tpu.memory_space<hbm>>
    %dma_wait3A_201 = tpu.memref_squeeze %dma_wait3A_200 : memref<1x1x32x1x128xf32, #tpu.memory_space<hbm>> -> memref<32x1x128xf32, #tpu.memory_space<hbm>>
    %dma_wait3A_202 = arith.constant 0 : i32
    %dma_wait3A_203 = arith.constant 0 : i32
    %dma_wait3A_204 = arith.constant 0 : i32
    %dma_wait3A_205 = tpu.memref_slice %arg7[%dma_wait3A_184, %dma_wait3A_202, %dma_wait3A_203, %dma_wait3A_204] : memref<2x32x1x128xf32, #tpu.memory_space<vmem>> -> memref<1x32x1x128xf32, #tpu.memory_space<vmem>>
    %dma_wait3A_206 = tpu.memref_squeeze %dma_wait3A_205 : memref<1x32x1x128xf32, #tpu.memory_space<vmem>> -> memref<32x1x128xf32, #tpu.memory_space<vmem>>
    tpu.wait_dma2 semaphore(%arg10 : memref<!tpu.dma_semaphore, #tpu.memory_space<semaphore_mem>>) src(%dma_wait3A_206 : memref<32x1x128xf32, #tpu.memory_space<vmem>>) dst(%dma_wait3A_201 : memref<32x1x128xf32, #tpu.memory_space<hbm>>)
    %dma_wait3A_207 = arith.constant 1 : i32
    %dma_wait3A_208 = arith.constant 0 : i32
    %dma_wait3A_209 = arith.constant 0 : i32
    %dma_wait3A_210 = arith.constant 0 : i32
    %dma_wait3A_211 = arith.constant 0 : i32
    %dma_wait3A_212 = arith.constant 0 : i32
    %dma_wait3A_213 = tpu.memref_slice %arg7[%dma_wait3A_207, %dma_wait3A_210, %dma_wait3A_211, %dma_wait3A_212] : memref<2x32x1x128xf32, #tpu.memory_space<vmem>> -> memref<1x32x1x128xf32, #tpu.memory_space<vmem>>
    %dma_wait3A_214 = tpu.memref_squeeze %dma_wait3A_213 : memref<1x32x1x128xf32, #tpu.memory_space<vmem>> -> memref<32x1x128xf32, #tpu.memory_space<vmem>>
    %dma_wait3A_215 = arith.constant 0 : i32
    %dma_wait3A_216 = arith.constant 0 : i32
    %dma_wait3A_217 = arith.constant 0 : i32
    %dma_wait3A_218 = tpu.memref_slice %arg4[%dma_wait3A_208, %dma_wait3A_209, %dma_wait3A_215, %dma_wait3A_216, %dma_wait3A_217] : memref<26x4x128x8x128xf32, #tpu.memory_space<hbm>> -> memref<1x1x32x1x128xf32, #tpu.memory_space<hbm>>
    %dma_wait3A_219 = tpu.memref_squeeze %dma_wait3A_218 : memref<1x1x32x1x128xf32, #tpu.memory_space<hbm>> -> memref<32x1x128xf32, #tpu.memory_space<hbm>>
    %dma_wait3A_220 = arith.constant 0 : i32
    %dma_wait3A_221 = arith.constant 0 : i32
    %dma_wait3A_222 = arith.constant 0 : i32
    %dma_wait3A_223 = tpu.memref_slice %arg4[%dma_wait3A_208, %dma_wait3A_209, %dma_wait3A_220, %dma_wait3A_221, %dma_wait3A_222] : memref<26x4x128x8x128xf32, #tpu.memory_space<hbm>> -> memref<1x1x32x1x128xf32, #tpu.memory_space<hbm>>
    %dma_wait3A_224 = tpu.memref_squeeze %dma_wait3A_223 : memref<1x1x32x1x128xf32, #tpu.memory_space<hbm>> -> memref<32x1x128xf32, #tpu.memory_space<hbm>>
    %dma_wait3A_225 = arith.constant 0 : i32
    %dma_wait3A_226 = arith.constant 0 : i32
    %dma_wait3A_227 = arith.constant 0 : i32
    %dma_wait3A_228 = tpu.memref_slice %arg7[%dma_wait3A_207, %dma_wait3A_225, %dma_wait3A_226, %dma_wait3A_227] : memref<2x32x1x128xf32, #tpu.memory_space<vmem>> -> memref<1x32x1x128xf32, #tpu.memory_space<vmem>>
    %dma_wait3A_229 = tpu.memref_squeeze %dma_wait3A_228 : memref<1x32x1x128xf32, #tpu.memory_space<vmem>> -> memref<32x1x128xf32, #tpu.memory_space<vmem>>
    tpu.wait_dma2 semaphore(%arg10 : memref<!tpu.dma_semaphore, #tpu.memory_space<semaphore_mem>>) src(%dma_wait3A_229 : memref<32x1x128xf32, #tpu.memory_space<vmem>>) dst(%dma_wait3A_224 : memref<32x1x128xf32, #tpu.memory_space<hbm>>)
    return
  }
}

</mosaic_0001>

<sc_bundles>
// kernel: kernel.3.cloned.1.call-start
scs
__scs_entry_jumppad:
0x0: {  	(pc) =	sbr.rel $0x88, $3  }
0x1: {  	(tag) =	ssettag $0x0;
	lr =	simm.s32 $0x1  }
0x2: {  	[smem:$0x3F9F] =	sst lr;
	_ =	strace $0xD0000000  }
0x3: {  	_ = 	snop  }
0x4: {  	_ = 	snop  }
0x5: {  	_ = 	snop  }
0x6: {  	_ = 	snop  }
0x7: {  	_ = 	snop  }
__scs_overlays_trampoline_lowered:
0x8: {  	[smem:$0x3FAE] =	sst s0  }
0x9: {  	[smem:$0x3FAF] =	sst s1  }
0xa: {  	[smem:$0x3FB0] =	sst s2  }
0xb: {  	[smem:$0x3FB1] =	sst s3  }
0xc: {  	[smem:$0x3FB2] =	sst s4  }
0xd: {  	[smem:$0x3FB3] =	sst s5  }
0xe: {  	[smem:$0x3FB4] =	sst s6  }
0xf: {  	[smem:$0x3FB5] =	sst s7  }
0x10: {  	[smem:$0x3FB6] =	sst s8  }
0x11: {  	[smem:$0x3FB7] =	sst s9;
	s0 =	simm.s32 @!p0 $0x0  }
0x12: {  	s1 =	sld [smem:$0x3F9D];
	s0 =	simm.s32 @p0 $0x1  }
0x13: {  	[smem:$0x3FB8] =	sst s0;
	s0 =	simm.s32 @!p1 $0x0  }
0x14: {  	s2 =	sld [smem:$0x3F9C];
	s0 =	simm.s32 @p1 $0x1  }
0x15: {  	[smem:$0x3FB9] =	sst s0;
	s0 =	simm.s32 @!p2 $0x0  }
0x16: {  	s3 =	sld [smem:$0x3FDB];
	s0 =	simm.s32 @p2 $0x1  }
0x17: {  	s4 =	simm.s32 $0x1BF5;
	[smem:$0x3FBB] =	sst s0  }
0x18: {  	s0 =	sld [smem:$0x3F9E];
	_ =	swait.ge [sflag:s4], $0x0  }
0x19: {  	s7 =	sld [smem:$0x3F9F]  }
0x1a: {  	s8 =	sadd.s32 $0xFFFFE003, lr  }
0x1b: {  	s9 =	sadd.s32 $0xFFFFFEF7, lr;
	s5 =	simm.s32 $0xFFFFFFFF;
	p2 =	slt.u32 s8, $0xFFFFF086  }
0x1c: {  	p1 =	slt.u32 s9, $0xF7A;
	s5 =	simm.s32 @!p2 $0x0  }
0x1d: {  	s5 =	simm.s32 @p1 $0x1;
	p0 =	seq.s32 s7, s2  }
0x1e: {  	s7 =	smul.u32 @!p0 $0xF7A, s2;
	p2 =	seq.s32 @!p0 s5, $0x0  }
0x1f: {  	s9 =	smul.u32 $0xF7A, s1;
	s8 =	simm.s32 @!p0 $0x1BF5;
	p2 =	por !p2, p0  }
0x20: {  	[sflag:s8] =	ssyncset.s32 @!p0 $0xFFFFF086;
	s6 =	sadd.s32 @!p0 s3, s7;
	s7 =	simm.s32 @!p0 $0x108  }
0x21: {  	s3 =	sadd.s32 s3, s9;
	s6 =	sadd.s32 @!p0 $0x88, s6;
	s7 =	simm.s32 @p2 $0x1082  }
0x22: {  	[simem:s7], [sflag:s8] =	dma.local @!p0 [hbm:s6], $0xF7A  }
0x23: {  	s9 =	sor.u32 $0xD0000000, s2;
	s6 =	simm.s32 $0x108;
	_ =	swait.ge @!p0 [sflag:s8], $0x0  }
0x24: {  	s3 =	sadd.s32 $0x88, s3;
	s6 =	simm.s32 @!p1 $0x1082;
	[sflag:s4] =	ssyncset.s32 $0xFFFFF086  }
0x25: {  	[simem:s6], [sflag:s4] =	dma.local [hbm:s3], $0xF7A  }
0x26: {  	[smem:$0x3F9F] =	sst s1;
	(tag) =	ssettag s2;
	_ =	strace s9  }
0x27: {  	s1 =	sld [smem:$0x3FAF]  }
0x28: {  	s2 =	sld [smem:$0x3FB0]  }
0x29: {  	s4 =	sld [smem:$0x3FB2]  }
0x2a: {  	p0 =	seq.s32 s5, $0x0;
	s5 =	sld [smem:$0x3FB3]  }
0x2b: {  	s6 =	sld [smem:$0x3FB4]  }
0x2c: {  	s7 =	sld [smem:$0x3FB5]  }
0x2d: {  	s3 =	simm.s32 $0x108;
	s8 =	sld [smem:$0x3FB6]  }
0x2e: {  	s3 =	simm.s32 @!p0 $0x1082;
	s9 =	sld [smem:$0x3FB7]  }
0x2f: {  	lr =	sadd.s32 s0, s3;
	s0 =	sld [smem:$0x3FAE]  }
0x30: {  	s3 =	sld [smem:$0x3FB1]  }
0x31: {  	[smem:$0x3FBA] =	sst s10  }
0x32: {  	s10 =	sld [smem:$0x3FB8];
	_ =	sdelay $0x3  }
0x33: {  	p0 =	seq.s32 s10, $0x1;
	s10 =	sld [smem:$0x3FBA];
	_ =	sdelay $0x3  }
0x34: {  	[smem:$0x3FBA] =	sst s10  }
0x35: {  	s10 =	sld [smem:$0x3FB9];
	_ =	sdelay $0x3  }
0x36: {  	p1 =	seq.s32 s10, $0x1;
	s10 =	sld [smem:$0x3FBA];
	_ =	sdelay $0x3  }
0x37: {  	[smem:$0x3FBA] =	sst s10  }
0x38: {  	s10 =	sld [smem:$0x3FBB]  }
0x39: {  	_ = 	snop;
	(pc) =	sbr.ind lr, $3  }
0x3a: {  	_ = 	snop  }
0x3b: {  	_ = 	snop  }
0x3c: {  	p2 =	seq.s32 s10, $0x1;
	s10 =	sld [smem:$0x3FBA]  }
0x3d: {  	_ =	shalt  }
0x3e: {  	_ =	shalt  }
0x3f: {  	_ =	shalt  }
0x40: {  	_ =	shalt  }
0x41: {  	_ =	shalt  }
0x42: {  	_ =	shalt  }
0x43: {  	_ =	shalt  }
0x44: {  	_ =	shalt  }
0x45: {  	_ =	shalt  }
0x46: {  	_ =	shalt  }
0x47: {  	_ =	shalt  }
0x48: {  	_ =	shalt  }
0x49: {  	_ =	shalt  }
0x4a: {  	_ =	shalt  }
0x4b: {  	_ =	shalt  }
0x4c: {  	_ =	shalt  }
0x4d: {  	_ =	shalt  }
0x4e: {  	_ =	shalt  }
0x4f: {  	_ =	shalt  }
0x50: {  	_ =	shalt  }
0x51: {  	_ =	shalt  }
0x52: {  	_ =	shalt  }
0x53: {  	_ =	shalt  }
0x54: {  	_ =	shalt  }
0x55: {  	_ =	shalt  }
0x56: {  	_ =	shalt  }
0x57: {  	_ =	shalt  }
0x58: {  	_ =	shalt  }
0x59: {  	_ =	shalt  }
0x5a: {  	_ =	shalt  }
0x5b: {  	_ =	shalt  }
0x5c: {  	_ =	shalt  }
0x5d: {  	_ =	shalt  }
0x5e: {  	_ =	shalt  }
0x5f: {  	_ =	shalt  }
0x60: {  	_ =	shalt  }
0x61: {  	_ =	shalt  }
0x62: {  	_ =	shalt  }
0x63: {  	_ =	shalt  }
0x64: {  	_ =	shalt  }
0x65: {  	_ =	shalt  }
0x66: {  	_ =	shalt  }
0x67: {  	_ =	shalt  }
0x68: {  	_ =	shalt  }
0x69: {  	_ =	shalt  }
0x6a: {  	_ =	shalt  }
0x6b: {  	_ =	shalt  }
0x6c: {  	_ =	shalt  }
0x6d: {  	_ =	shalt  }
0x6e: {  	_ =	shalt  }
0x6f: {  	_ =	shalt  }
0x70: {  	_ =	shalt  }
0x71: {  	_ =	shalt  }
0x72: {  	_ =	shalt  }
0x73: {  	_ =	shalt  }
0x74: {  	_ =	shalt  }
0x75: {  	_ =	shalt  }
0x76: {  	_ =	shalt  }
0x77: {  	_ =	shalt  }
0x78: {  	_ =	shalt  }
0x79: {  	_ =	shalt  }
0x7a: {  	_ =	shalt  }
0x7b: {  	_ =	shalt  }
0x7c: {  	_ =	shalt  }
0x7d: {  	_ =	shalt  }
0x7e: {  	_ =	shalt  }
0x7f: {  	_ =	shalt  }
0x80: {  	_ =	shalt  }
0x81: {  	_ =	shalt  }
0x82: {  	_ =	shalt  }
0x83: {  	_ =	shalt  }
0x84: {  	_ =	shalt  }
0x85: {  	_ =	shalt  }
0x86: {  	_ =	shalt  }
0x87: {  	_ =	shalt  }
.Lfunc_end0:
.L_simem_size_0:
called_computation_lowered:
.L_overlay_start_0:
0x88: {  	s2 =	sld [smem:$0x3FD9]  }
0x89: {  	s3 =	sld [smem:$0x3FFE];
	_ =	sdelay $0x1  }
0x8a: {  	s1 =	srdreg.scid  }
0x8b: {  	s0 =	sand.u32 $0x1, s1  }
0x8c: {  	s17 =	sshll.u32 s0, $0xA;
	s2 =	sadd.s32 s3, s2  }
0x8d: {  	s2 =	sadd.s32 s2, s17  }
0x8e: {  	[smem:$0x3FC6] =	sst s2  }
0x8f: {  	_ = 	snop  }
0x90: {  	s2 =	sld [smem:$0x3FD0];
	(tm) =	ssettm $0x1  }
0x91: {  	s18 =	sld [smem:$0x3FFB];
	_ =	sdelay $0x3  }
0x92: {  	_ =	strace s18  }
0x93: {  	s3 =	sld [smem:$0x3FFC];
	_ =	sdelay $0x3  }
0x94: {  	_ =	strace s3  }
0x95: {  	s3 =	sld [smem:$0x3FFD];
	_ =	sdelay $0x3  }
0x96: {  	_ =	strace s3  }
0x97: {  	_ =	strace $0x8FFFFFFF  }
0x98: {  	s19 =	sld [smem:$0x3FDB];
	_ =	sdelay $0x1  }
0x99: {  	s4 =	simm.s32 $_scs_section_size  }
0x9a: {  	s5 =	simm.s32 $_size__tile_overlayer_lowered;
	s6 =	simm.s32 $_tile_overlayer_lowered  }
0x9b: {  	s22 =	simm.s32 $0x1BFF;
	s21 =	sshll.u32 s6, $0x1;
	s3 =	sadd.s32 s4, s19  }
0x9c: {  	s7 =	simm.s32 $0x0;
	s20 =	sshll.u32 s5, $0x1;
	s5 =	sadd.s32 s21, s3  }
0x9d: {  	[timem:s7], [sflag:s22] =	dma.local [hbm:s5], s20  }
0x9e: {  	_ =	swait.ge [sflag:s22], s20  }
0x9f: {  	s4 =	ssub.s32 $0x0, s20;
	[sflag:s22] =	ssyncset.done $0x0  }
0xa0: {  	[sflag:s22] =	ssyncadd.s32 s4;
	_ =	sdelay $0x1  }
0xa1: {  	s23 =	simm.s32 $0x1B8B  }
0xa2: {  	_ =	swait.ge [sflag:s23], $0x1  }
0xa3: {  	[sflag:s23] =	ssyncset.done $0x0  }
0xa4: {  	s25 =	simm.s32 $0x1B8E;
	s24 =	sld [smem:$0x3FFE];
	[sflag:s23] =	ssyncadd.s32 $0xFFFFFFFF  }
0xa5: {  	s26 =	simm.s32 $execute0_lowered;
	[smem:$0x3FD2] =	sst s25  }
0xa6: {  	s5 =	sshll.u32 s26, $0x1;
	_ =	strace $0x80000046;
	[dreg:$0x1] =	wrdreg $0xFFFFFFFF  }
0xa7: {  	s28 =	simm.s32 $_size_execute0_lowered;
	s3 =	sadd.s32 s3, s5;
	[dreg:$0x0] =	wrdreg $0x0  }
0xa8: {  	s5 =	sshll.u32 s28, $0x1;
	[dreg:$0x2] =	wrdreg s3  }
0xa9: {  	[dreg:$0x3] =	wrdreg s5  }
0xaa: {  	[dreg:$0x4] =	wrdreg $0xC0  }
0xab: {  	_ =	task [dreg:s7], $0x5FFFF  }
0xac: {  	[dreg:$0x1] =	wrdreg $0xFFFFFFFF  }
0xad: {  	[dreg:$0x0] =	wrdreg $0x60  }
0xae: {  	[dreg:$0x2] =	wrdreg s24  }
0xaf: {  	[dreg:$0x3] =	wrdreg s2  }
0xb0: {  	[dreg:$0x4] =	wrdreg $0x9  }
0xb1: {  	_ =	task.clear_ibuf [dreg:s7], $0x5FFFF;
	_ =	strace $0x90000046  }
0xb2: {  	s29 =	simm.s32 $0x9;
	_ =	strace $0x80000048  }
0xb3: {  	_ =	swait.ge [sflag:s29], $0x1  }
0xb4: {  	[sflag:s29] =	ssyncadd.s32 $0xFFFFFFFF  }
0xb5: {  	_ =	strace $0x90000048  }
0xb6: {  	_ =	sfence  }
0xb7: {  	s30 =	sld [smem:$0x0];
	_ =	sdelay $0x2  }
0xb8: {  	s31 =	sshll.u32 s1, $0xD;
	s1 =	sshrl.u32 s1, $0x2  }
0xb9: {  	s3 =	sand.u32 $0x4000, s31;
	s1 =	sadd.s32 s1, s30  }
0xba: {  	s0 =	sor.u32 s3, s0;
	s1 =	sshll.u32 s1, $0x11  }
0xbb: {  	s0 =	sor.u32 s1, s0  }
0xbc: {  	s0 =	sadd.s32 $0x8F2B, s0  }
0xbd: {  	[sflag:s0] =	ssyncadd.remote.s32 $0x1  }
0xbe: {  	_ =	sfence.sel $0xFFFF  }
0xbf: {  	[dreg:$0x0] =	wrdreg $0xFFFFFFFF;
	(pc) =	sbr.abs _section_cstart, $3  }
0xc0: {  	[dreg:$0x1] =	wrdreg $0xFFFFFFFF  }
0xc1: {  	_ =	task.clear_ibuf [dreg:s7], $0x2FFFF;
	_ =	strace $0x9FFFFFFF  }
0xc2: {  	(tm) =	ssettm $0x7FFFFFFF  }
0xc3: {  	_ =	shalt  }
tec
execute0_lowered:
.L_overlay_start_1:
0x0: {  	(tag) =	ssettag $0x1  }
0x1: {  	s1 =	srdreg.scid;
	s6 =	rddreg [dreg:$0x0]  }
0x2: {  	s0 =	stileid.u32;
	s3 =	rddreg [dreg:$0x1];
	s4 =	simm.s32 $0x0  }
0x3: {  	s13 =	simm.s32 $0x80;
	s7 =	sand.u32 $0x1, s1;
	s26 =	sshll.u32 s0, $0x1  }
0x4: {  	s14 =	simm.s32 $0x400;
	s15 =	simm.s32 $0x18780;
	s8 =	sor.u32 s7, s26  }
0x5: {  	s16 =	simm.s32 $0x2;
	s17 =	simm.s32 $0x1;
	s2 =	smul.u32 $0x1A, s8  }
0x6: {  	s18 =	simm.s32 $0x1C780;
	s19 =	simm.s32 $0x1D780;
	s20 =	simm.s32 $0x3  }
0x7: {  	s21 =	simm.s32 $0x0;
	s1 =	rddreg [dreg:$0x2];
	s5 =	sshrl.u32 s2, $0x5  }
0x8: {  	[smem:$0x7FF] =	sst s4;
	s11 =	sadd.s32 $0x3000, s3;
	s5 =	smul.u32 $0x186A0, s5  }
0x9: {  	_ =	strace $0x80000047;
	s7 =	ssub.s32 $0x2, s7;
	s9 =	sshrl.u32 s2, $0x3  }
0xa: {  	s8 =	sshll.u32 s8, $0x8;
	s9 =	sand.u32 $0x3, s9;
	s10 =	sshrl.u32 s5, $0x7  }
0xb: {  	s28 =	sshrl.u32 s7, $0x1;
	s9 =	smul.u32 $0x13D6400, s9;
	s10 =	smin.u32 s10, $0x4C4A  }
0xc: {  	s8 =	sand.u32 $0x300, s8;
	s12 =	ssub.s32 s7, s28;
	s10 =	sshll.u32 s10, $0xA  }
0xd: {  	s29 =	sshll.u32 s2, $0x6;
	s12 =	smax.u32 s12, $0x1;
	s9 =	sadd.s32 s9, s10  }
0xe: {  	s31 =	sand.u32 $0xF800, s29;
	s5 =	sadd.s32 $0x400, s6;
	s8 =	sor.u32 s8, s9  }
0xf: {  	s6 =	sadd.s32 $0xD400, s6;
	s10 =	sadd.s32 $0x2000, s3;
	s30 =	sshrl.u32 s8, $0x3  }
0x10: {  	s9 =	sadd.s32 $0x1000, s3;
	s8 =	sadd.s32 s5, s31;
	s7 =	sadd.s32 s6, s30  }
.LBB2_1:
0x11: {  	[tilespmem:s4], [sflag:$0x1] =	stream.strided.gather [hbm4b:s7+s13], $0x18780, s14, s13, $0x38;
	[tilespmem:$0x1E780] =	vst v63  }
0x12: {  	_ = 	snop  }
0x13: {  	[tilespmem:s15], [sflag:$0x2] =	stream.linear.gather [hbm4b:s8+s4], $0x4000, $0x38;
	[tilespmem:$0x1E780] =	vst v63  }
0x14: {  	_ =	swait.ge [sflag:s16], $0x4000  }
0x15: {  	[sflag:s16] =	ssyncset.done $0x0  }
0x16: {  	s22 =	simm.s32 $0x0;
	[sflag:s16] =	ssyncadd.s32 $0xFFFFC000  }
.LBB2_2:
0x17: {  	_ =	swait.ge [sflag:s17], $0x18780  }
0x18: {  	p0 =	seq.s32 s22, $0x0;
	[sflag:s17] =	ssyncset.done $0x0  }
0x19: {  	s24 =	sadd.s32 s2, s22;
	s25 =	simm.s32 @!p0 $0x3;
	[sflag:s17] =	ssyncadd.s32 $0xFFFE7880  }
0x1a: {  	s23 =	sshrl.u32 s24, $0x5;
	_ =	swait.ge @!p0 [sflag:s25], $0x1000  }
0x1b: {  	s26 =	smul.u32 $0x186A0, s23;
	[sflag:s25] =	ssyncset.done @!p0 $0x0  }
0x1c: {  	[sflag:s25] =	ssyncadd.s32 @!p0 $0xFFFFF000;
	s25 =	simm.s32 $0x0  }
0x1d: {  	s28 =	sshrl.u32 s26, $0x7;
	v1 =	vld [tilespmem:s25+$0x18780]  }
0x1e: {  	s28 =	smin.u32 s28, $0x4C4A  }
0x1f: {  	s28 =	sshll.u32 s28, $0x7  }
0x20: {  	s26 =	ssub.s32 s26, s28  }
0x21: {  	v0 =	vmov s26  }
0x22: {  	v1 =	vadd.s32 v0, v1  }
0x23: {  	v2 =	vld [tilespmem:s25+$0x18790];
	_ =	sdelay $0x3  }
0x24: {  	v1 =	vld.idx.msk [tilespmem:v1+s4+$0x0], $0xffff  }
0x25: {  	v2 =	vadd.s32 v0, v2  }
0x26: {  	v3 =	vld [tilespmem:s25+$0x187A0];
	_ =	sdelay $0x2  }
0x27: {  	[tilespmem:s25+$0x1C780] =	vst v1  }
0x28: {  	v1 =	vld.idx.msk [tilespmem:v2+s4+$0x0], $0xffff  }
0x29: {  	v2 =	vadd.s32 v0, v3  }
0x2a: {  	v3 =	vld [tilespmem:s25+$0x187B0];
	_ =	sdelay $0x2  }
0x2b: {  	[tilespmem:s25+$0x1C790] =	vst v1  }
0x2c: {  	v1 =	vld.idx.msk [tilespmem:v2+s4+$0x0], $0xffff  }
0x2d: {  	v2 =	vadd.s32 v0, v3  }
0x2e: {  	v3 =	vld [tilespmem:s25+$0x187C0];
	_ =	sdelay $0x2  }
0x2f: {  	[tilespmem:s25+$0x1C7A0] =	vst v1  }
0x30: {  	v1 =	vld.idx.msk [tilespmem:v2+s4+$0x0], $0xffff  }
0x31: {  	v2 =	vadd.s32 v0, v3  }
0x32: {  	v3 =	vld [tilespmem:s25+$0x187D0];
	_ =	sdelay $0x2  }
0x33: {  	[tilespmem:s25+$0x1C7B0] =	vst v1  }
0x34: {  	v1 =	vld.idx.msk [tilespmem:v2+s4+$0x0], $0xffff  }
0x35: {  	v2 =	vadd.s32 v0, v3  }
0x36: {  	v3 =	vld [tilespmem:s25+$0x187E0];
	_ =	sdelay $0x2  }
0x37: {  	[tilespmem:s25+$0x1C7C0] =	vst v1  }
0x38: {  	v1 =	vld.idx.msk [tilespmem:v2+s4+$0x0], $0xffff  }
0x39: {  	v2 =	vadd.s32 v0, v3  }
0x3a: {  	v3 =	vld [tilespmem:s25+$0x187F0];
	_ =	sdelay $0x2  }
0x3b: {  	[tilespmem:s25+$0x1C7D0] =	vst v1  }
0x3c: {  	v1 =	vld.idx.msk [tilespmem:v2+s4+$0x0], $0xffff  }
0x3d: {  	v2 =	vadd.s32 v0, v3  }
0x3e: {  	s28 =	simm.s32 $0x80;
	s26 =	simm.s32 $0x400  }
.LBB2_3:
0x3f: {  	p1 =	sne.s32 s26, $0x3E00;
	v3 =	vld [tilespmem:s28+$0x18780];
	_ =	sdelay $0x1  }
0x40: {  	[tilespmem:s25+$0x1C7E0] =	vst v1  }
0x41: {  	v1 =	vld.idx.msk [tilespmem:v2+s4+$0x0], $0xffff;
	_ =	sdelay $0x1  }
0x42: {  	v2 =	vadd.s32 v0, v3;
	_ =	sdelay $0x1  }
0x43: {  	v3 =	vld [tilespmem:s28+$0x18790];
	_ =	sdelay $0x1  }
0x44: {  	[tilespmem:s25+$0x1C7F0] =	vst v1;
	s25 =	smov.u32 s28  }
0x45: {  	v1 =	vld.idx.msk [tilespmem:v2+s4+$0x0], $0xffff;
	_ =	sdelay $0x1  }
0x46: {  	v2 =	vadd.s32 v0, v3;
	_ =	sdelay $0x1  }
0x47: {  	v3 =	vld [tilespmem:s25+$0x187A0];
	_ =	sdelay $0x1  }
0x48: {  	[tilespmem:s25+$0x1C780] =	vst v1  }
0x49: {  	v1 =	vld.idx.msk [tilespmem:v2+s4+$0x0], $0xffff;
	_ =	sdelay $0x1  }
0x4a: {  	v2 =	vadd.s32 v0, v3;
	_ =	sdelay $0x1  }
0x4b: {  	v3 =	vld [tilespmem:s25+$0x187B0];
	_ =	sdelay $0x1  }
0x4c: {  	[tilespmem:s25+$0x1C790] =	vst v1  }
0x4d: {  	v1 =	vld.idx.msk [tilespmem:v2+s4+$0x0], $0xffff;
	_ =	sdelay $0x1  }
0x4e: {  	v2 =	vadd.s32 v0, v3;
	_ =	sdelay $0x1  }
0x4f: {  	v3 =	vld [tilespmem:s25+$0x187C0];
	_ =	sdelay $0x1  }
0x50: {  	[tilespmem:s25+$0x1C7A0] =	vst v1  }
0x51: {  	v1 =	vld.idx.msk [tilespmem:v2+s4+$0x0], $0xffff;
	_ =	sdelay $0x1  }
0x52: {  	v2 =	vadd.s32 v0, v3;
	_ =	sdelay $0x1  }
0x53: {  	v3 =	vld [tilespmem:s25+$0x187D0];
	_ =	sdelay $0x1  }
0x54: {  	[tilespmem:s25+$0x1C7B0] =	vst v1  }
0x55: {  	v1 =	vld.idx.msk [tilespmem:v2+s4+$0x0], $0xffff;
	_ =	sdelay $0x1  }
0x56: {  	v2 =	vadd.s32 v0, v3;
	_ =	sdelay $0x1  }
0x57: {  	v3 =	vld [tilespmem:s25+$0x187E0];
	_ =	sdelay $0x1  }
0x58: {  	[tilespmem:s25+$0x1C7C0] =	vst v1  }
0x59: {  	v1 =	vld.idx.msk [tilespmem:v2+s4+$0x0], $0xffff;
	_ =	sdelay $0x1  }
0x5a: {  	v2 =	vadd.s32 v0, v3;
	_ =	sdelay $0x1  }
0x5b: {  	v3 =	vld [tilespmem:s25+$0x187F0];
	_ =	sdelay $0x1  }
.Ltmp0:
0x5c: {  	[tilespmem:s25+$0x1C7D0] =	vst v1;
	(pc) =	sbr.rel @p1 .LBB2_3-.Ltmp0, $3  }
0x5d: {  	v1 =	vld.idx.msk [tilespmem:v2+s4+$0x0], $0xffff;
	_ =	sdelay $0x1  }
0x5e: {  	v2 =	vadd.s32 v0, v3  }
0x5f: {  	s28 =	sshra.s32 s26, $0x2;
	s26 =	sadd.s32 $0x200, s26  }
0x60: {  	v3 =	vld [tilespmem:s28+$0x18780];
	_ =	sdelay $0x2  }
0x61: {  	[tilespmem:s25+$0x1C7E0] =	vst v1  }
0x62: {  	v1 =	vld.idx.msk [tilespmem:v2+s4+$0x0], $0xffff  }
0x63: {  	v2 =	vadd.s32 v0, v3  }
0x64: {  	v3 =	vld [tilespmem:s28+$0x18790];
	_ =	sdelay $0x2  }
0x65: {  	[tilespmem:s25+$0x1C7F0] =	vst v1  }
0x66: {  	v1 =	vld.idx.msk [tilespmem:v2+s4+$0x0], $0xffff  }
0x67: {  	v2 =	vadd.s32 v0, v3  }
0x68: {  	v3 =	vld [tilespmem:s28+$0x187A0];
	_ =	sdelay $0x2  }
0x69: {  	[tilespmem:s28+$0x1C780] =	vst v1  }
0x6a: {  	v1 =	vld.idx.msk [tilespmem:v2+s4+$0x0], $0xffff  }
0x6b: {  	v2 =	vadd.s32 v0, v3  }
0x6c: {  	v3 =	vld [tilespmem:s28+$0x187B0];
	_ =	sdelay $0x2  }
0x6d: {  	[tilespmem:s28+$0x1C790] =	vst v1  }
0x6e: {  	v1 =	vld.idx.msk [tilespmem:v2+s4+$0x0], $0xffff  }
0x6f: {  	v2 =	vadd.s32 v0, v3  }
0x70: {  	v3 =	vld [tilespmem:s28+$0x187C0];
	_ =	sdelay $0x2  }
0x71: {  	[tilespmem:s28+$0x1C7A0] =	vst v1  }
0x72: {  	v1 =	vld.idx.msk [tilespmem:v2+s4+$0x0], $0xffff  }
0x73: {  	v2 =	vadd.s32 v0, v3  }
0x74: {  	v3 =	vld [tilespmem:s28+$0x187D0];
	_ =	sdelay $0x2  }
0x75: {  	[tilespmem:s28+$0x1C7B0] =	vst v1  }
0x76: {  	v1 =	vld.idx.msk [tilespmem:v2+s4+$0x0], $0xffff  }
0x77: {  	v2 =	vadd.s32 v0, v3  }
0x78: {  	v3 =	vld [tilespmem:s28+$0x187E0];
	_ =	sdelay $0x2  }
0x79: {  	[tilespmem:s28+$0x1C7C0] =	vst v1  }
0x7a: {  	v1 =	vld.idx.msk [tilespmem:v2+s4+$0x0], $0xffff  }
0x7b: {  	v2 =	vadd.s32 v0, v3  }
0x7c: {  	v3 =	vld [tilespmem:s28+$0x187F0];
	_ =	sdelay $0x2  }
0x7d: {  	[tilespmem:s28+$0x1C7D0] =	vst v1  }
0x7e: {  	v1 =	vld.idx.msk [tilespmem:v2+s4+$0x0], $0xffff  }
0x7f: {  	v2 =	vadd.s32 v0, v3;
	_ =	sdelay $0x3  }
0x80: {  	[tilespmem:s28+$0x1C7E0] =	vst v1  }
0x81: {  	v1 =	vld.idx.msk [tilespmem:v2+s4+$0x0], $0xffff  }
0x82: {  	s30 =	sshll.u32 s24, $0xB  }
0x83: {  	s26 =	sshll.u32 s23, $0x10;
	s31 =	sshll.u32 s24, $0x4;
	s25 =	sand.u32 $0xC000, s30  }
0x84: {  	s24 =	sand.u32 $0x70, s31;
	s25 =	sor.u32 s25, s26  }
0x85: {  	s24 =	sor.u32 s24, s25  }
0x86: {  	s25 =	sadd.s32 s3, s24;
	[tilespmem:s28+$0x1C7F0] =	vst v1  }
0x87: {  	[hbm4b:s25+s13] =	stream.strided.scatter [tilespmem:s18], [sflag:$0x3], $0x1000, s14, s13, $0x38;
	[tilespmem:$0x1E780] =	vst v63  }
0x88: {  	s25 =	simm.s32 @!p0 $0x3  }
0x89: {  	_ =	swait.ge @!p0 [sflag:s25], $0x1000  }
0x8a: {  	[sflag:s25] =	ssyncset.done @!p0 $0x0  }
0x8b: {  	[sflag:s25] =	ssyncadd.s32 @!p0 $0xFFFFF000;
	s25 =	simm.s32 $0x0  }
0x8c: {  	v1 =	vld [tilespmem:s25+$0x19780];
	_ =	sdelay $0x4  }
0x8d: {  	v1 =	vadd.s32 v0, v1  }
0x8e: {  	v2 =	vld [tilespmem:s25+$0x19790];
	_ =	sdelay $0x3  }
0x8f: {  	v1 =	vld.idx.msk [tilespmem:v1+s4+$0x0], $0xffff  }
0x90: {  	v2 =	vadd.s32 v0, v2  }
0x91: {  	v3 =	vld [tilespmem:s25+$0x197A0];
	_ =	sdelay $0x2  }
0x92: {  	[tilespmem:s25+$0x1D780] =	vst v1  }
0x93: {  	v1 =	vld.idx.msk [tilespmem:v2+s4+$0x0], $0xffff  }
0x94: {  	v2 =	vadd.s32 v0, v3  }
0x95: {  	v3 =	vld [tilespmem:s25+$0x197B0];
	_ =	sdelay $0x2  }
0x96: {  	[tilespmem:s25+$0x1D790] =	vst v1  }
0x97: {  	v1 =	vld.idx.msk [tilespmem:v2+s4+$0x0], $0xffff  }
0x98: {  	v2 =	vadd.s32 v0, v3  }
0x99: {  	v3 =	vld [tilespmem:s25+$0x197C0];
	_ =	sdelay $0x2  }
0x9a: {  	[tilespmem:s25+$0x1D7A0] =	vst v1  }
0x9b: {  	v1 =	vld.idx.msk [tilespmem:v2+s4+$0x0], $0xffff  }
0x9c: {  	v2 =	vadd.s32 v0, v3  }
0x9d: {  	v3 =	vld [tilespmem:s25+$0x197D0];
	_ =	sdelay $0x2  }
0x9e: {  	[tilespmem:s25+$0x1D7B0] =	vst v1  }
0x9f: {  	v1 =	vld.idx.msk [tilespmem:v2+s4+$0x0], $0xffff  }
0xa0: {  	v2 =	vadd.s32 v0, v3  }
0xa1: {  	v3 =	vld [tilespmem:s25+$0x197E0];
	_ =	sdelay $0x2  }
0xa2: {  	[tilespmem:s25+$0x1D7C0] =	vst v1  }
0xa3: {  	v1 =	vld.idx.msk [tilespmem:v2+s4+$0x0], $0xffff  }
0xa4: {  	v2 =	vadd.s32 v0, v3  }
0xa5: {  	v3 =	vld [tilespmem:s25+$0x197F0];
	_ =	sdelay $0x2  }
0xa6: {  	[tilespmem:s25+$0x1D7D0] =	vst v1  }
0xa7: {  	v1 =	vld.idx.msk [tilespmem:v2+s4+$0x0], $0xffff  }
0xa8: {  	v2 =	vadd.s32 v0, v3  }
0xa9: {  	s26 =	simm.s32 $0x400;
	s28 =	simm.s32 $0x80  }
.LBB2_5:
0xaa: {  	p0 =	sne.s32 s26, $0x3E00;
	v3 =	vld [tilespmem:s28+$0x19780];
	_ =	sdelay $0x1  }
0xab: {  	[tilespmem:s25+$0x1D7E0] =	vst v1  }
0xac: {  	v1 =	vld.idx.msk [tilespmem:v2+s4+$0x0], $0xffff;
	_ =	sdelay $0x1  }
0xad: {  	v2 =	vadd.s32 v0, v3;
	_ =	sdelay $0x1  }
0xae: {  	v3 =	vld [tilespmem:s28+$0x19790];
	_ =	sdelay $0x1  }
0xaf: {  	[tilespmem:s25+$0x1D7F0] =	vst v1;
	s25 =	smov.u32 s28  }
0xb0: {  	v1 =	vld.idx.msk [tilespmem:v2+s4+$0x0], $0xffff;
	_ =	sdelay $0x1  }
0xb1: {  	v2 =	vadd.s32 v0, v3;
	_ =	sdelay $0x1  }
0xb2: {  	v3 =	vld [tilespmem:s25+$0x197A0];
	_ =	sdelay $0x1  }
0xb3: {  	[tilespmem:s25+$0x1D780] =	vst v1  }
0xb4: {  	v1 =	vld.idx.msk [tilespmem:v2+s4+$0x0], $0xffff;
	_ =	sdelay $0x1  }
0xb5: {  	v2 =	vadd.s32 v0, v3;
	_ =	sdelay $0x1  }
0xb6: {  	v3 =	vld [tilespmem:s25+$0x197B0];
	_ =	sdelay $0x1  }
0xb7: {  	[tilespmem:s25+$0x1D790] =	vst v1  }
0xb8: {  	v1 =	vld.idx.msk [tilespmem:v2+s4+$0x0], $0xffff;
	_ =	sdelay $0x1  }
0xb9: {  	v2 =	vadd.s32 v0, v3;
	_ =	sdelay $0x1  }
0xba: {  	v3 =	vld [tilespmem:s25+$0x197C0];
	_ =	sdelay $0x1  }
0xbb: {  	[tilespmem:s25+$0x1D7A0] =	vst v1  }
0xbc: {  	v1 =	vld.idx.msk [tilespmem:v2+s4+$0x0], $0xffff;
	_ =	sdelay $0x1  }
0xbd: {  	v2 =	vadd.s32 v0, v3;
	_ =	sdelay $0x1  }
0xbe: {  	v3 =	vld [tilespmem:s25+$0x197D0];
	_ =	sdelay $0x1  }
0xbf: {  	[tilespmem:s25+$0x1D7B0] =	vst v1  }
0xc0: {  	v1 =	vld.idx.msk [tilespmem:v2+s4+$0x0], $0xffff;
	_ =	sdelay $0x1  }
0xc1: {  	v2 =	vadd.s32 v0, v3;
	_ =	sdelay $0x1  }
0xc2: {  	v3 =	vld [tilespmem:s25+$0x197E0];
	_ =	sdelay $0x1  }
0xc3: {  	[tilespmem:s25+$0x1D7C0] =	vst v1  }
0xc4: {  	v1 =	vld.idx.msk [tilespmem:v2+s4+$0x0], $0xffff;
	_ =	sdelay $0x1  }
0xc5: {  	v2 =	vadd.s32 v0, v3;
	_ =	sdelay $0x1  }
0xc6: {  	v3 =	vld [tilespmem:s25+$0x197F0];
	_ =	sdelay $0x1  }
.Ltmp1:
0xc7: {  	[tilespmem:s25+$0x1D7D0] =	vst v1;
	(pc) =	sbr.rel @p0 .LBB2_5-.Ltmp1, $3  }
0xc8: {  	v1 =	vld.idx.msk [tilespmem:v2+s4+$0x0], $0xffff;
	_ =	sdelay $0x1  }
0xc9: {  	v2 =	vadd.s32 v0, v3  }
0xca: {  	s28 =	sshra.s32 s26, $0x2;
	s26 =	sadd.s32 $0x200, s26  }
0xcb: {  	v3 =	vld [tilespmem:s28+$0x19780];
	_ =	sdelay $0x2  }
0xcc: {  	[tilespmem:s25+$0x1D7E0] =	vst v1  }
0xcd: {  	v1 =	vld.idx.msk [tilespmem:v2+s4+$0x0], $0xffff  }
0xce: {  	v2 =	vadd.s32 v0, v3  }
0xcf: {  	v3 =	vld [tilespmem:s28+$0x19790];
	_ =	sdelay $0x2  }
0xd0: {  	[tilespmem:s25+$0x1D7F0] =	vst v1  }
0xd1: {  	v1 =	vld.idx.msk [tilespmem:v2+s4+$0x0], $0xffff  }
0xd2: {  	v2 =	vadd.s32 v0, v3  }
0xd3: {  	v3 =	vld [tilespmem:s28+$0x197A0];
	_ =	sdelay $0x2  }
0xd4: {  	[tilespmem:s28+$0x1D780] =	vst v1  }
0xd5: {  	v1 =	vld.idx.msk [tilespmem:v2+s4+$0x0], $0xffff  }
0xd6: {  	v2 =	vadd.s32 v0, v3  }
0xd7: {  	v3 =	vld [tilespmem:s28+$0x197B0];
	_ =	sdelay $0x2  }
0xd8: {  	[tilespmem:s28+$0x1D790] =	vst v1  }
0xd9: {  	v1 =	vld.idx.msk [tilespmem:v2+s4+$0x0], $0xffff  }
0xda: {  	v2 =	vadd.s32 v0, v3  }
0xdb: {  	v3 =	vld [tilespmem:s28+$0x197C0];
	_ =	sdelay $0x2  }
0xdc: {  	[tilespmem:s28+$0x1D7A0] =	vst v1  }
0xdd: {  	v1 =	vld.idx.msk [tilespmem:v2+s4+$0x0], $0xffff  }
0xde: {  	v2 =	vadd.s32 v0, v3  }
0xdf: {  	v3 =	vld [tilespmem:s28+$0x197D0];
	_ =	sdelay $0x2  }
0xe0: {  	[tilespmem:s28+$0x1D7B0] =	vst v1  }
0xe1: {  	v1 =	vld.idx.msk [tilespmem:v2+s4+$0x0], $0xffff  }
0xe2: {  	v2 =	vadd.s32 v0, v3  }
0xe3: {  	v3 =	vld [tilespmem:s28+$0x197E0];
	_ =	sdelay $0x2  }
0xe4: {  	[tilespmem:s28+$0x1D7C0] =	vst v1  }
0xe5: {  	v1 =	vld.idx.msk [tilespmem:v2+s4+$0x0], $0xffff  }
0xe6: {  	v2 =	vadd.s32 v0, v3  }
0xe7: {  	v3 =	vld [tilespmem:s28+$0x197F0];
	_ =	sdelay $0x2  }
0xe8: {  	[tilespmem:s28+$0x1D7D0] =	vst v1  }
0xe9: {  	v1 =	vld.idx.msk [tilespmem:v2+s4+$0x0], $0xffff  }
0xea: {  	v2 =	vadd.s32 v0, v3;
	_ =	sdelay $0x3  }
0xeb: {  	[tilespmem:s28+$0x1D7E0] =	vst v1  }
0xec: {  	v1 =	vld.idx.msk [tilespmem:v2+s4+$0x0], $0xffff;
	_ =	sdelay $0x4  }
0xed: {  	s31 =	sadd.s32 s24, s9;
	[tilespmem:s28+$0x1D7F0] =	vst v1  }
0xee: {  	[hbm4b:s31+s13] =	stream.strided.scatter [tilespmem:s19], [sflag:$0x3], $0x1000, s14, s13, $0x38;
	[tilespmem:$0x1E780] =	vst v63  }
0xef: {  	_ =	swait.ge [sflag:s20], $0x1000  }
0xf0: {  	[sflag:s20] =	ssyncset.done $0x0  }
0xf1: {  	s25 =	simm.s32 $0x0;
	[sflag:s20] =	ssyncadd.s32 $0xFFFFF000  }
0xf2: {  	v1 =	vld [tilespmem:s25+$0x1A780];
	_ =	sdelay $0x4  }
0xf3: {  	v1 =	vadd.s32 v0, v1  }
0xf4: {  	v2 =	vld [tilespmem:s25+$0x1A790];
	_ =	sdelay $0x3  }
0xf5: {  	v1 =	vld.idx.msk [tilespmem:v1+s4+$0x0], $0xffff  }
0xf6: {  	v2 =	vadd.s32 v0, v2  }
0xf7: {  	v3 =	vld [tilespmem:s25+$0x1A7A0];
	_ =	sdelay $0x2  }
0xf8: {  	[tilespmem:s25+$0x1C780] =	vst v1  }
0xf9: {  	v1 =	vld.idx.msk [tilespmem:v2+s4+$0x0], $0xffff  }
0xfa: {  	v2 =	vadd.s32 v0, v3  }
0xfb: {  	v3 =	vld [tilespmem:s25+$0x1A7B0];
	_ =	sdelay $0x2  }
0xfc: {  	[tilespmem:s25+$0x1C790] =	vst v1  }
0xfd: {  	v1 =	vld.idx.msk [tilespmem:v2+s4+$0x0], $0xffff  }
0xfe: {  	v2 =	vadd.s32 v0, v3  }
0xff: {  	v3 =	vld [tilespmem:s25+$0x1A7C0];
	_ =	sdelay $0x2  }
0x100: {  	[tilespmem:s25+$0x1C7A0] =	vst v1  }
0x101: {  	v1 =	vld.idx.msk [tilespmem:v2+s4+$0x0], $0xffff  }
0x102: {  	v2 =	vadd.s32 v0, v3  }
0x103: {  	v3 =	vld [tilespmem:s25+$0x1A7D0];
	_ =	sdelay $0x2  }
0x104: {  	[tilespmem:s25+$0x1C7B0] =	vst v1  }
0x105: {  	v1 =	vld.idx.msk [tilespmem:v2+s4+$0x0], $0xffff  }
0x106: {  	v2 =	vadd.s32 v0, v3  }
0x107: {  	v3 =	vld [tilespmem:s25+$0x1A7E0];
	_ =	sdelay $0x2  }
0x108: {  	[tilespmem:s25+$0x1C7C0] =	vst v1  }
0x109: {  	v1 =	vld.idx.msk [tilespmem:v2+s4+$0x0], $0xffff  }
0x10a: {  	v2 =	vadd.s32 v0, v3  }
0x10b: {  	v3 =	vld [tilespmem:s25+$0x1A7F0];
	_ =	sdelay $0x2  }
0x10c: {  	[tilespmem:s25+$0x1C7D0] =	vst v1  }
0x10d: {  	v1 =	vld.idx.msk [tilespmem:v2+s4+$0x0], $0xffff  }
0x10e: {  	v2 =	vadd.s32 v0, v3  }
0x10f: {  	s26 =	simm.s32 $0x400;
	s28 =	simm.s32 $0x80  }
.LBB2_7:
0x110: {  	p0 =	sne.s32 s26, $0x3E00;
	v3 =	vld [tilespmem:s28+$0x1A780];
	_ =	sdelay $0x1  }
0x111: {  	[tilespmem:s25+$0x1C7E0] =	vst v1  }
0x112: {  	v1 =	vld.idx.msk [tilespmem:v2+s4+$0x0], $0xffff;
	_ =	sdelay $0x1  }
0x113: {  	v2 =	vadd.s32 v0, v3;
	_ =	sdelay $0x1  }
0x114: {  	v3 =	vld [tilespmem:s28+$0x1A790];
	_ =	sdelay $0x1  }
0x115: {  	[tilespmem:s25+$0x1C7F0] =	vst v1;
	s25 =	smov.u32 s28  }
0x116: {  	v1 =	vld.idx.msk [tilespmem:v2+s4+$0x0], $0xffff;
	_ =	sdelay $0x1  }
0x117: {  	v2 =	vadd.s32 v0, v3;
	_ =	sdelay $0x1  }
0x118: {  	v3 =	vld [tilespmem:s25+$0x1A7A0];
	_ =	sdelay $0x1  }
0x119: {  	[tilespmem:s25+$0x1C780] =	vst v1  }
0x11a: {  	v1 =	vld.idx.msk [tilespmem:v2+s4+$0x0], $0xffff;
	_ =	sdelay $0x1  }
0x11b: {  	v2 =	vadd.s32 v0, v3;
	_ =	sdelay $0x1  }
0x11c: {  	v3 =	vld [tilespmem:s25+$0x1A7B0];
	_ =	sdelay $0x1  }
0x11d: {  	[tilespmem:s25+$0x1C790] =	vst v1  }
0x11e: {  	v1 =	vld.idx.msk [tilespmem:v2+s4+$0x0], $0xffff;
	_ =	sdelay $0x1  }
0x11f: {  	v2 =	vadd.s32 v0, v3;
	_ =	sdelay $0x1  }
0x120: {  	v3 =	vld [tilespmem:s25+$0x1A7C0];
	_ =	sdelay $0x1  }
0x121: {  	[tilespmem:s25+$0x1C7A0] =	vst v1  }
0x122: {  	v1 =	vld.idx.msk [tilespmem:v2+s4+$0x0], $0xffff;
	_ =	sdelay $0x1  }
0x123: {  	v2 =	vadd.s32 v0, v3;
	_ =	sdelay $0x1  }
0x124: {  	v3 =	vld [tilespmem:s25+$0x1A7D0];
	_ =	sdelay $0x1  }
0x125: {  	[tilespmem:s25+$0x1C7B0] =	vst v1  }
0x126: {  	v1 =	vld.idx.msk [tilespmem:v2+s4+$0x0], $0xffff;
	_ =	sdelay $0x1  }
0x127: {  	v2 =	vadd.s32 v0, v3;
	_ =	sdelay $0x1  }
0x128: {  	v3 =	vld [tilespmem:s25+$0x1A7E0];
	_ =	sdelay $0x1  }
0x129: {  	[tilespmem:s25+$0x1C7C0] =	vst v1  }
0x12a: {  	v1 =	vld.idx.msk [tilespmem:v2+s4+$0x0], $0xffff;
	_ =	sdelay $0x1  }
0x12b: {  	v2 =	vadd.s32 v0, v3;
	_ =	sdelay $0x1  }
0x12c: {  	v3 =	vld [tilespmem:s25+$0x1A7F0];
	_ =	sdelay $0x1  }
.Ltmp2:
0x12d: {  	[tilespmem:s25+$0x1C7D0] =	vst v1;
	(pc) =	sbr.rel @p0 .LBB2_7-.Ltmp2, $3  }
0x12e: {  	v1 =	vld.idx.msk [tilespmem:v2+s4+$0x0], $0xffff;
	_ =	sdelay $0x1  }
0x12f: {  	v2 =	vadd.s32 v0, v3  }
0x130: {  	s28 =	sshra.s32 s26, $0x2;
	s26 =	sadd.s32 $0x200, s26  }
0x131: {  	v3 =	vld [tilespmem:s28+$0x1A780];
	_ =	sdelay $0x2  }
0x132: {  	[tilespmem:s25+$0x1C7E0] =	vst v1  }
0x133: {  	v1 =	vld.idx.msk [tilespmem:v2+s4+$0x0], $0xffff  }
0x134: {  	v2 =	vadd.s32 v0, v3  }
0x135: {  	v3 =	vld [tilespmem:s28+$0x1A790];
	_ =	sdelay $0x2  }
0x136: {  	[tilespmem:s25+$0x1C7F0] =	vst v1  }
0x137: {  	v1 =	vld.idx.msk [tilespmem:v2+s4+$0x0], $0xffff  }
0x138: {  	v2 =	vadd.s32 v0, v3  }
0x139: {  	v3 =	vld [tilespmem:s28+$0x1A7A0];
	_ =	sdelay $0x2  }
0x13a: {  	[tilespmem:s28+$0x1C780] =	vst v1  }
0x13b: {  	v1 =	vld.idx.msk [tilespmem:v2+s4+$0x0], $0xffff  }
0x13c: {  	v2 =	vadd.s32 v0, v3  }
0x13d: {  	v3 =	vld [tilespmem:s28+$0x1A7B0];
	_ =	sdelay $0x2  }
0x13e: {  	[tilespmem:s28+$0x1C790] =	vst v1  }
0x13f: {  	v1 =	vld.idx.msk [tilespmem:v2+s4+$0x0], $0xffff  }
0x140: {  	v2 =	vadd.s32 v0, v3  }
0x141: {  	v3 =	vld [tilespmem:s28+$0x1A7C0];
	_ =	sdelay $0x2  }
0x142: {  	[tilespmem:s28+$0x1C7A0] =	vst v1  }
0x143: {  	v1 =	vld.idx.msk [tilespmem:v2+s4+$0x0], $0xffff  }
0x144: {  	v2 =	vadd.s32 v0, v3  }
0x145: {  	v3 =	vld [tilespmem:s28+$0x1A7D0];
	_ =	sdelay $0x2  }
0x146: {  	[tilespmem:s28+$0x1C7B0] =	vst v1  }
0x147: {  	v1 =	vld.idx.msk [tilespmem:v2+s4+$0x0], $0xffff  }
0x148: {  	v2 =	vadd.s32 v0, v3  }
0x149: {  	v3 =	vld [tilespmem:s28+$0x1A7E0];
	_ =	sdelay $0x2  }
0x14a: {  	[tilespmem:s28+$0x1C7C0] =	vst v1  }
0x14b: {  	v1 =	vld.idx.msk [tilespmem:v2+s4+$0x0], $0xffff  }
0x14c: {  	v2 =	vadd.s32 v0, v3  }
0x14d: {  	v3 =	vld [tilespmem:s28+$0x1A7F0];
	_ =	sdelay $0x2  }
0x14e: {  	[tilespmem:s28+$0x1C7D0] =	vst v1  }
0x14f: {  	v1 =	vld.idx.msk [tilespmem:v2+s4+$0x0], $0xffff  }
0x150: {  	v2 =	vadd.s32 v0, v3;
	_ =	sdelay $0x3  }
0x151: {  	[tilespmem:s28+$0x1C7E0] =	vst v1  }
0x152: {  	v1 =	vld.idx.msk [tilespmem:v2+s4+$0x0], $0xffff;
	_ =	sdelay $0x4  }
0x153: {  	s31 =	sadd.s32 s24, s10;
	[tilespmem:s28+$0x1C7F0] =	vst v1  }
0x154: {  	[hbm4b:s31+s13] =	stream.strided.scatter [tilespmem:s18], [sflag:$0x3], $0x1000, s14, s13, $0x38;
	[tilespmem:$0x1E780] =	vst v63  }
0x155: {  	_ =	swait.ge [sflag:s20], $0x1000  }
0x156: {  	[sflag:s20] =	ssyncset.done $0x0  }
0x157: {  	s25 =	simm.s32 $0x0;
	[sflag:s20] =	ssyncadd.s32 $0xFFFFF000  }
0x158: {  	v1 =	vld [tilespmem:s25+$0x1B780];
	_ =	sdelay $0x4  }
0x159: {  	v1 =	vadd.s32 v0, v1  }
0x15a: {  	v2 =	vld [tilespmem:s25+$0x1B790];
	_ =	sdelay $0x3  }
0x15b: {  	v1 =	vld.idx.msk [tilespmem:v1+s4+$0x0], $0xffff  }
0x15c: {  	v2 =	vadd.s32 v0, v2  }
0x15d: {  	v3 =	vld [tilespmem:s25+$0x1B7A0];
	_ =	sdelay $0x2  }
0x15e: {  	[tilespmem:s25+$0x1D780] =	vst v1  }
0x15f: {  	v1 =	vld.idx.msk [tilespmem:v2+s4+$0x0], $0xffff  }
0x160: {  	v2 =	vadd.s32 v0, v3  }
0x161: {  	v3 =	vld [tilespmem:s25+$0x1B7B0];
	_ =	sdelay $0x2  }
0x162: {  	[tilespmem:s25+$0x1D790] =	vst v1  }
0x163: {  	v1 =	vld.idx.msk [tilespmem:v2+s4+$0x0], $0xffff  }
0x164: {  	v2 =	vadd.s32 v0, v3  }
0x165: {  	v3 =	vld [tilespmem:s25+$0x1B7C0];
	_ =	sdelay $0x2  }
0x166: {  	[tilespmem:s25+$0x1D7A0] =	vst v1  }
0x167: {  	v1 =	vld.idx.msk [tilespmem:v2+s4+$0x0], $0xffff  }
0x168: {  	v2 =	vadd.s32 v0, v3  }
0x169: {  	v3 =	vld [tilespmem:s25+$0x1B7D0];
	_ =	sdelay $0x2  }
0x16a: {  	[tilespmem:s25+$0x1D7B0] =	vst v1  }
0x16b: {  	v1 =	vld.idx.msk [tilespmem:v2+s4+$0x0], $0xffff  }
0x16c: {  	v2 =	vadd.s32 v0, v3  }
0x16d: {  	v3 =	vld [tilespmem:s25+$0x1B7E0];
	_ =	sdelay $0x2  }
0x16e: {  	[tilespmem:s25+$0x1D7C0] =	vst v1  }
0x16f: {  	v1 =	vld.idx.msk [tilespmem:v2+s4+$0x0], $0xffff  }
0x170: {  	v2 =	vadd.s32 v0, v3  }
0x171: {  	v3 =	vld [tilespmem:s25+$0x1B7F0];
	_ =	sdelay $0x2  }
0x172: {  	[tilespmem:s25+$0x1D7D0] =	vst v1  }
0x173: {  	v1 =	vld.idx.msk [tilespmem:v2+s4+$0x0], $0xffff  }
0x174: {  	v2 =	vadd.s32 v0, v3  }
0x175: {  	s26 =	simm.s32 $0x400;
	s28 =	simm.s32 $0x80  }
.LBB2_9:
0x176: {  	p0 =	sne.s32 s26, $0x3E00;
	v3 =	vld [tilespmem:s28+$0x1B780];
	_ =	sdelay $0x1  }
0x177: {  	[tilespmem:s25+$0x1D7E0] =	vst v1  }
0x178: {  	v1 =	vld.idx.msk [tilespmem:v2+s4+$0x0], $0xffff;
	_ =	sdelay $0x1  }
0x179: {  	v2 =	vadd.s32 v0, v3;
	_ =	sdelay $0x1  }
0x17a: {  	v3 =	vld [tilespmem:s28+$0x1B790];
	_ =	sdelay $0x1  }
0x17b: {  	[tilespmem:s25+$0x1D7F0] =	vst v1;
	s25 =	smov.u32 s28  }
0x17c: {  	v1 =	vld.idx.msk [tilespmem:v2+s4+$0x0], $0xffff;
	_ =	sdelay $0x1  }
0x17d: {  	v2 =	vadd.s32 v0, v3;
	_ =	sdelay $0x1  }
0x17e: {  	v3 =	vld [tilespmem:s25+$0x1B7A0];
	_ =	sdelay $0x1  }
0x17f: {  	[tilespmem:s25+$0x1D780] =	vst v1  }
0x180: {  	v1 =	vld.idx.msk [tilespmem:v2+s4+$0x0], $0xffff;
	_ =	sdelay $0x1  }
0x181: {  	v2 =	vadd.s32 v0, v3;
	_ =	sdelay $0x1  }
0x182: {  	v3 =	vld [tilespmem:s25+$0x1B7B0];
	_ =	sdelay $0x1  }
0x183: {  	[tilespmem:s25+$0x1D790] =	vst v1  }
0x184: {  	v1 =	vld.idx.msk [tilespmem:v2+s4+$0x0], $0xffff;
	_ =	sdelay $0x1  }
0x185: {  	v2 =	vadd.s32 v0, v3;
	_ =	sdelay $0x1  }
0x186: {  	v3 =	vld [tilespmem:s25+$0x1B7C0];
	_ =	sdelay $0x1  }
0x187: {  	[tilespmem:s25+$0x1D7A0] =	vst v1  }
0x188: {  	v1 =	vld.idx.msk [tilespmem:v2+s4+$0x0], $0xffff;
	_ =	sdelay $0x1  }
0x189: {  	v2 =	vadd.s32 v0, v3;
	_ =	sdelay $0x1  }
0x18a: {  	v3 =	vld [tilespmem:s25+$0x1B7D0];
	_ =	sdelay $0x1  }
0x18b: {  	[tilespmem:s25+$0x1D7B0] =	vst v1  }
0x18c: {  	v1 =	vld.idx.msk [tilespmem:v2+s4+$0x0], $0xffff;
	_ =	sdelay $0x1  }
0x18d: {  	v2 =	vadd.s32 v0, v3;
	_ =	sdelay $0x1  }
0x18e: {  	v3 =	vld [tilespmem:s25+$0x1B7E0];
	_ =	sdelay $0x1  }
0x18f: {  	[tilespmem:s25+$0x1D7C0] =	vst v1  }
0x190: {  	v1 =	vld.idx.msk [tilespmem:v2+s4+$0x0], $0xffff;
	_ =	sdelay $0x1  }
0x191: {  	v2 =	vadd.s32 v0, v3;
	_ =	sdelay $0x1  }
0x192: {  	v3 =	vld [tilespmem:s25+$0x1B7F0];
	_ =	sdelay $0x1  }
.Ltmp3:
0x193: {  	[tilespmem:s25+$0x1D7D0] =	vst v1;
	(pc) =	sbr.rel @p0 .LBB2_9-.Ltmp3, $3  }
0x194: {  	v1 =	vld.idx.msk [tilespmem:v2+s4+$0x0], $0xffff;
	_ =	sdelay $0x1  }
0x195: {  	v2 =	vadd.s32 v0, v3  }
0x196: {  	s28 =	sshra.s32 s26, $0x2;
	s26 =	sadd.s32 $0x200, s26  }
0x197: {  	v3 =	vld [tilespmem:s28+$0x1B780];
	_ =	sdelay $0x2  }
0x198: {  	[tilespmem:s25+$0x1D7E0] =	vst v1  }
0x199: {  	v1 =	vld.idx.msk [tilespmem:v2+s4+$0x0], $0xffff  }
0x19a: {  	v49 =	vadd.s32 v0, v3  }
0x19b: {  	v50 =	vld [tilespmem:s28+$0x1B790];
	_ =	sdelay $0x2  }
0x19c: {  	[tilespmem:s25+$0x1D7F0] =	vst v1  }
0x19d: {  	v1 =	vld.idx.msk [tilespmem:v49+s4+$0x0], $0xffff  }
0x19e: {  	v51 =	vadd.s32 v0, v50  }
0x19f: {  	v52 =	vld [tilespmem:s28+$0x1B7A0];
	_ =	sdelay $0x2  }
0x1a0: {  	[tilespmem:s28+$0x1D780] =	vst v1  }
0x1a1: {  	v1 =	vld.idx.msk [tilespmem:v51+s4+$0x0], $0xffff  }
0x1a2: {  	v53 =	vadd.s32 v0, v52  }
0x1a3: {  	v54 =	vld [tilespmem:s28+$0x1B7B0];
	_ =	sdelay $0x2  }
0x1a4: {  	[tilespmem:s28+$0x1D790] =	vst v1  }
0x1a5: {  	v1 =	vld.idx.msk [tilespmem:v53+s4+$0x0], $0xffff  }
0x1a6: {  	v55 =	vadd.s32 v0, v54  }
0x1a7: {  	v56 =	vld [tilespmem:s28+$0x1B7C0];
	_ =	sdelay $0x2  }
0x1a8: {  	[tilespmem:s28+$0x1D7A0] =	vst v1  }
0x1a9: {  	v1 =	vld.idx.msk [tilespmem:v55+s4+$0x0], $0xffff  }
0x1aa: {  	v57 =	vadd.s32 v0, v56  }
0x1ab: {  	v58 =	vld [tilespmem:s28+$0x1B7D0];
	_ =	sdelay $0x2  }
0x1ac: {  	[tilespmem:s28+$0x1D7B0] =	vst v1  }
0x1ad: {  	v1 =	vld.idx.msk [tilespmem:v57+s4+$0x0], $0xffff  }
0x1ae: {  	v59 =	vadd.s32 v0, v58  }
0x1af: {  	v60 =	vld [tilespmem:s28+$0x1B7E0];
	_ =	sdelay $0x2  }
0x1b0: {  	[tilespmem:s28+$0x1D7C0] =	vst v1  }
0x1b1: {  	v1 =	vld.idx.msk [tilespmem:v59+s4+$0x0], $0xffff  }
0x1b2: {  	v61 =	vadd.s32 v0, v60  }
0x1b3: {  	v62 =	vld [tilespmem:s28+$0x1B7F0];
	_ =	sdelay $0x2  }
0x1b4: {  	[tilespmem:s28+$0x1D7D0] =	vst v1  }
0x1b5: {  	v1 =	vld.idx.msk [tilespmem:v61+s4+$0x0], $0xffff  }
0x1b6: {  	v63 =	vadd.s32 v0, v62;
	_ =	sdelay $0x3  }
0x1b7: {  	[tilespmem:s28+$0x1D7E0] =	vst v1  }
0x1b8: {  	v0 =	vld.idx.msk [tilespmem:v63+s4+$0x0], $0xffff;
	_ =	sdelay $0x4  }
0x1b9: {  	s24 =	sadd.s32 s24, s11;
	[tilespmem:s28+$0x1D7F0] =	vst v0  }
0x1ba: {  	[hbm4b:s24+s13] =	stream.strided.scatter [tilespmem:s19], [sflag:$0x3], $0x1000, s14, s13, $0x38;
	[tilespmem:$0x1E780] =	vst v63  }
0x1bb: {  	p0 =	seq.s32 s22, $0x19;
	s24 =	sadd.s32 $0x1, s22  }
0x1bc: {  	s22 =	sadd.s32 @!p0 s2, s24  }
0x1bd: {  	s25 =	sshrl.u32 @!p0 s22, $0x5  }
0x1be: {  	p1 =	seq.s32 @!p0 s25, s23  }
0x1bf: {  	p1 =	por p1, p0  }
0x1c0: {  	s23 =	sshll.u32 @!p1 s25, $0xB  }
0x1c1: {  	s23 =	sand.u32 @!p1 $0x1FFFF800, s23  }
0x1c2: {  	s26 =	simm.s32 @!p1 $0x0;
	s28 =	simm.s32 @!p1 $0x18780;
	s23 =	sadd.s32 @!p1 s5, s23  }
0x1c3: {  	[tilespmem:s28], [sflag:$0x2] =	stream.linear.gather @!p1 [hbm4b:s23+s26], $0x4000, $0x38;
	[tilespmem:$0x1E780] =	vst v63  }
0x1c4: {  	s23 =	smul.u32 @!p0 $0x186A0, s25  }
0x1c5: {  	s25 =	sshrl.u32 @!p0 s22, $0x3  }
0x1c6: {  	s25 =	sand.u32 @!p0 $0x3, s25;
	s23 =	sshrl.u32 @!p0 s23, $0x7  }
0x1c7: {  	s26 =	simm.s32 @!p1 $0x2;
	s25 =	smul.u32 @!p0 $0x13D6400, s25;
	s23 =	smin.u32 @!p0 s23, $0x4C4A  }
0x1c8: {  	s22 =	sshll.u32 @!p0 s22, $0x7;
	_ =	swait.ge @!p1 [sflag:s26], $0x4000;
	s23 =	sshll.u32 @!p0 s23, $0xA  }
0x1c9: {  	s22 =	sand.u32 @!p0 $0x380, s22;
	[sflag:s26] =	ssyncset.done @!p1 $0x0;
	s23 =	sadd.s32 @!p0 s25, s23  }
0x1ca: {  	[sflag:s26] =	ssyncadd.s32 @!p1 $0xFFFFC000;
	s22 =	sor.u32 @!p0 s22, s23  }
0x1cb: {  	s26 =	simm.s32 @!p0 $0x0;
	p1 =	sne.s32 @!p0 s24, $0x1A;
	s22 =	sshrl.u32 @!p0 s22, $0x3  }
0x1cc: {  	s25 =	simm.s32 @!p0 $0x400;
	s23 =	simm.s32 @!p0 $0x80;
	s22 =	sadd.s32 @!p0 s6, s22  }
0x1cd: {  	[tilespmem:s26], [sflag:$0x1] =	stream.strided.gather @!p0 [hbm4b:s22+s23], $0x18780, s25, s23, $0x38;
	[tilespmem:$0x1E780] =	vst v63  }
0x1ce: {  	p0 =	por p0, !p1  }
.Ltmp4:
0x1cf: {  	_ = 	snop;
	(pc) =	sbr.rel @!p0 .LBB2_2-.Ltmp4, $2  }
0x1d0: {  	_ =	sdelay $0x2  }
0x1d1: {  	s22 =	smov.u32 s24  }
0x1d2: {  	s21 =	sadd.s32 $0x1, s21  }
0x1d3: {  	_ =	swait.ge [sflag:s20], $0x1000;
	p0 =	sne.s32 s21, s12  }
.Ltmp5:
0x1d4: {  	[sflag:s20] =	ssyncset.done $0x0;
	(pc) =	sbr.rel @p0 .LBB2_1-.Ltmp5, $4  }
0x1d5: {  	[sflag:s20] =	ssyncadd.s32 $0xFFFFF000  }
0x1d6: {  	_ =	swait.ge [sflag:s20], $0x1000  }
0x1d7: {  	[sflag:s20] =	ssyncset.done $0x0  }
0x1d8: {  	[sflag:s20] =	ssyncadd.s32 $0xFFFFF000  }
0x1d9: {  	_ =	sfence.sel $0x180000  }
0x1da: {  	[bflag:$0x0] =	sbarrier.arrive $0xFFFF  }
0x1db: {  	p0 =	sne.s32 s0, $0x0;
	_ =	strace $0x90000047  }
0x1dc: {  	s0 =	sadd.s32 @!p0 $0x100000, s1;
	[bflag:$0x2] =	sbarrier.arrive $0xFFFF  }
0x1dd: {  	[sflag:s0] =	ssyncadd.tile.s32 @!p0 $0x1;
	_ =	shalt  }
.Lfunc_end2:
_tile_overlayer_lowered:
.L_overlay_start_2:
0x1de: {  	(tag) =	ssettag $0x2  }
0x1df: {  	s0 =	rddreg [dreg:$0x0];
	s2 =	stileid.u32  }
0x1e0: {  	s1 =	rddreg [dreg:$0x1];
	p0 =	sne.s32 s2, $0x0  }
0x1e1: {  	s3 =	rddreg [dreg:$0x2];
	[bflag:$0x3] =	sbarrier.arrive $0xFFFF;
	s2 =	simm.s32 @!p0 $0x1C04  }
0x1e2: {  	[timem:s3], [sflag:s2] =	dma.local @!p0 [hbm:s0], s1  }
0x1e3: {  	s0 =	simm.s32 @!p0 $0x4  }
0x1e4: {  	_ =	swait.ge @!p0 [sflag:s0], s1  }
0x1e5: {  	s1 =	ssub.s32 @!p0 $0x0, s1;
	[sflag:s0] =	ssyncset.done @!p0 $0x0  }
0x1e6: {  	[sflag:s0] =	ssyncadd.s32 @!p0 s1  }
0x1e7: {  	[bflag:$0x3] =	sbarrier.arrive $0xFFFF  }
0x1e8: {  	_ =	shalt  }

</sc_bundles>
